<compile_context>
chip_gen: v7x
topology: tpu7x:2x2x1
jax: 0.10.2.dev20260603
libtpu: 0.0.44.dev20260713+nightly
codegen_flags: <defaults>
</compile_context>

<pallas_src>
import jax
import jax.numpy as jnp
from jax import lax
from jax.experimental import pallas as pl
from jax.experimental.pallas import tpu as pltpu
from jax.experimental.pallas import tpu_sc as plsc

N = 10000
NP = 10240
D = 128
NC = 2
NS = 16
NW = NC * NS
CHUNK = 128
T = 80
E_PAD = NW * T * CHUNK
NGRP = 2
GRP = NP // NGRP
G_ACC = GRP + CHUNK
G_ROWS = G_ACC // NS
NBUF = 4
RB = 640

_SC_PARAMS = pltpu.CompilerParams(use_tc_tiling_on_sc=False)


def _mesh():
    return plsc.VectorSubcoreMesh(core_axis_name="c", subcore_axis_name="s")


def _deg_body(dst_hbm, deg_out, dst_v, ones_v, zero_v, acc_sh):
    c = lax.axis_index("c")
    s = lax.axis_index("s")
    row0 = s * (NP // NS)

    def zfill(i, carry):
        zero_v[pl.ds(i * 16, 16)] = jnp.zeros((16,), jnp.float32)
        return carry

    lax.fori_loop(0, (NP // NS) // 16, zfill, 0)
    pltpu.sync_copy(zero_v, acc_sh.at[pl.ds(row0, NP // NS)])

    def ofill(i, carry):
        ones_v[pl.ds(i * 16, 16)] = jnp.ones((16,), jnp.float32)
        return carry

    lax.fori_loop(0, CHUNK // 16, ofill, 0)

    tbase = c * (NS * T) + s * T
    pltpu.sync_copy(dst_hbm.at[pl.ds(tbase, T)], dst_v)

    plsc.subcore_barrier()

    def body(j, carry):
        pltpu.sync_copy(ones_v, acc_sh.at[dst_v.at[j]], add=True)
        return carry

    lax.fori_loop(0, T, body, 0)

    plsc.subcore_barrier()
    pltpu.sync_copy(acc_sh.at[pl.ds(row0, NP // NS)],
                    deg_out.at[pl.ds(c * NP + row0, NP // NS)])


def _deg_call(dst_p):
    fn = pl.kernel(
        _deg_body,
        out_type=jax.ShapeDtypeStruct((NC * NP,), jnp.float32),
        mesh=_mesh(),
        compiler_params=_SC_PARAMS,
        scratch_types=[
            pltpu.VMEM((T, CHUNK), jnp.int32),
            pltpu.VMEM((CHUNK,), jnp.float32),
            pltpu.VMEM((NP // NS,), jnp.float32),
            pltpu.VMEM_SHARED((NP,), jnp.float32),
        ],
    )
    return fn(dst_p)


def _agg_body(h_hbm, src_hbm, dst_hbm, out_hbm, src_v, dst_v, dst_a, rows,
              acc_sh, *sems):
    c = lax.axis_index("c")
    s = lax.axis_index("s")
    row0 = s * G_ROWS

    tbase = c * (NS * T) + s * T
    pltpu.sync_copy(src_hbm.at[pl.ds(tbase, T)], src_v)
    pltpu.sync_copy(dst_hbm.at[pl.ds(tbase, T)], dst_v)

    for g in range(NGRP):
        gbase = g * GRP

        def adjust(i, carry):
            r = i // (CHUNK // 16)
            k = i % (CHUNK // 16)
            v = dst_v[r, pl.ds(k * 16, 16)] - gbase
            ok = (v >= 0) & (v < GRP)
            dump = GRP + (i % CHUNK)
            dst_a[r, pl.ds(k * 16, 16)] = jnp.where(ok, v, dump)
            return carry

        lax.fori_loop(0, T * (CHUNK // 16), adjust, 0)

        def zfill(i, carry):
            r = i // (D // 32)
            k = i % (D // 32)
            rows[0, r, pl.ds(k * 32, 32)] = jnp.zeros((32,), jnp.bfloat16)
            return carry

        lax.fori_loop(0, CHUNK * (D // 32), zfill, 0)
        for off in range(0, G_ROWS, CHUNK):
            ln = min(CHUNK, G_ROWS - off)
            pltpu.sync_copy(rows.at[0, pl.ds(0, ln)],
                            acc_sh.at[pl.ds(row0 + off, ln)])

        plsc.subcore_barrier()

        for b in range(NBUF):
            pltpu.async_copy(h_hbm.at[src_v.at[b]], rows.at[b], sems[b])

        def group(gg, carry):
            for b in range(NBUF):
                j = gg * NBUF + b
                pltpu.make_async_copy(h_hbm.at[src_v.at[j]], rows.at[b],
                                      sems[b]).wait()
                pltpu.sync_copy(rows.at[b], acc_sh.at[dst_a.at[j]], add=True)
                jn = j + NBUF

                @pl.when(jn < T)
                def _():
                    pltpu.async_copy(h_hbm.at[src_v.at[jn]], rows.at[b],
                                     sems[b])

            return carry

        lax.fori_loop(0, T // NBUF, group, 0)

        plsc.subcore_barrier()
        for off in range(0, G_ROWS, CHUNK):
            ln = min(CHUNK, G_ROWS - off)
            r = row0 + off
            pltpu.sync_copy(acc_sh.at[pl.ds(r, ln)],
                            out_hbm.at[c, g, pl.ds(r, ln)])


def _agg_call(h, src_p, dst_p):
    fn = pl.kernel(
        _agg_body,
        out_type=jax.ShapeDtypeStruct((NC, NGRP, G_ACC, D), jnp.bfloat16),
        mesh=_mesh(),
        compiler_params=_SC_PARAMS,
        scratch_types=[
            pltpu.VMEM((T, CHUNK), jnp.int32),
            pltpu.VMEM((T, CHUNK), jnp.int32),
            pltpu.VMEM((T, CHUNK), jnp.int32),
            pltpu.VMEM((NBUF, CHUNK, D), jnp.bfloat16),
            pltpu.VMEM_SHARED((G_ACC, D), jnp.bfloat16),
        ] + [pltpu.SemaphoreType.DMA] * NBUF,
    )
    return fn(h, src_p, dst_p)


def _mm_body(cur_ref, w_ref, d_ref, hp_ref, hpf_ref):
    xw = jnp.dot(cur_ref[...], w_ref[...], preferred_element_type=jnp.float32)
    hp = xw * d_ref[...]
    hp_ref[...] = hp.astype(jnp.bfloat16)
    hpf_ref[...] = hp


def _mm_call(cur, w, d_bcast):
    return pl.pallas_call(
        _mm_body,
        grid=(NP // RB,),
        in_specs=[
            pl.BlockSpec((RB, D), lambda i: (i, 0)),
            pl.BlockSpec((D, D), lambda i: (0, 0)),
            pl.BlockSpec((RB, D), lambda i: (i, 0)),
        ],
        out_specs=[
            pl.BlockSpec((RB, D), lambda i: (i, 0)),
            pl.BlockSpec((RB, D), lambda i: (i, 0)),
        ],
        out_shape=[
            jax.ShapeDtypeStruct((NP, D), jnp.bfloat16),
            jax.ShapeDtypeStruct((NP, D), jnp.float32),
        ],
    )(cur, w, d_bcast)


def _comb_body(agg_ref, hpf_ref, d_ref, b_ref, f_ref, out_ref):
    a = (agg_ref[0, 0].astype(jnp.float32)
         + agg_ref[1, 0].astype(jnp.float32))
    t = d_ref[...] * (a + hpf_ref[...]) + b_ref[...]
    out_ref[...] = jnp.where(f_ref[...] > 0.0, jnp.maximum(t, 0.0), t)


def _comb_call(agg, hpf, d_bcast, b, flag):
    bpg = GRP // RB
    return pl.pallas_call(
        _comb_body,
        grid=(NP // RB,),
        in_specs=[
            pl.BlockSpec((NC, 1, RB, D),
                         lambda i: (0, i // bpg, i % bpg, 0)),
            pl.BlockSpec((RB, D), lambda i: (i, 0)),
            pl.BlockSpec((RB, D), lambda i: (i, 0)),
            pl.BlockSpec((1, D), lambda i: (0, 0)),
            pl.BlockSpec((1, D), lambda i: (0, 0)),
        ],
        out_specs=pl.BlockSpec((RB, D), lambda i: (i, 0)),
        out_shape=jax.ShapeDtypeStruct((NP, D), jnp.float32),
    )(agg, hpf, d_bcast, b, flag)


def kernel(x, edge_index, W1, b1, W2, b2):
    src = edge_index[0]
    dst = edge_index[1]
    e = src.shape[0]
    pad = E_PAD - e
    src_p = jnp.concatenate(
        [src, jnp.zeros((pad,), src.dtype)]).reshape(E_PAD // CHUNK, CHUNK)
    dst_p = jnp.concatenate(
        [dst, jnp.full((pad,), N, dst.dtype)]).reshape(E_PAD // CHUNK, CHUNK)

    deg_parts = _deg_call(dst_p)
    deg = deg_parts[:NP] + deg_parts[NP:] + 1.0
    d_bcast = jnp.broadcast_to(lax.rsqrt(deg)[:, None], (NP, D))

    x_pad = jnp.concatenate(
        [x, jnp.zeros((NP - N, D), jnp.float32)], axis=0)

    def layer(it, cur):
        w = jnp.where(it == 0, W1, W2)
        b = jnp.where(it == 0, b1, b2).reshape(1, D)
        flag = jnp.where(it == 0, 1.0, 0.0) * jnp.ones((1, D), jnp.float32)
        hp, hpf = _mm_call(cur, w, d_bcast)
        agg = _agg_call(hp, src_p, dst_p)
        return _comb_call(agg, hpf, d_bcast, b, flag)

    return lax.fori_loop(0, 2, layer, x_pad)[:N]

# --- scband reference (transcript-rebuilt; emitter-appended) ---
"""Pipeline reference for scband-gcn-82231443849288 (READ-ONLY COPY).

The authoritative reference and input builder live on the scoring server;
editing this copy changes nothing except your own understanding.
"""

import jax, jax.numpy as jnp
import numpy as np

N = 10000
E = 320000
D_IN = 128
D_H = 128
D_OUT = 128


def setup_inputs(seed: int = 0):
    key = jax.random.key(seed)
    k1, k2, k3, k4, k5, k6 = jax.random.split(key, 6)
    x = jax.random.normal(k1, (N, D_IN), dtype=jnp.float32)
    edge_index = jax.random.randint(k2, (2, E), 0, N, dtype=jnp.int32)
    # GCNConv weights (glorot-ish init) and biases (zeros, as in PyG default)
    W1 = jax.random.normal(k3, (D_IN, D_H), dtype=jnp.float32) * np.sqrt(2.0 / (D_IN + D_H))
    b1 = jnp.zeros((D_H,), dtype=jnp.float32)
    W2 = jax.random.normal(k4, (D_H, D_OUT), dtype=jnp.float32) * np.sqrt(2.0 / (D_H + D_OUT))
    b2 = jnp.zeros((D_OUT,), dtype=jnp.float32)
    return {"x": x, "edge_index": edge_index, "W1": W1, "b1": b1, "W2": W2, "b2": b2}


def _gcn_conv(x, edge_index, W, b):
    # Faithful PyG GCNConv: add self-loops, symmetric normalization D^-1/2 (A+I) D^-1/2 X W + b
    h = x @ W
    loop = jnp.arange(N, dtype=edge_index.dtype)
    src = jnp.concatenate([edge_index[0], loop])
    dst = jnp.concatenate([edge_index[1], loop])
    deg = jnp.zeros((N,), dtype=h.dtype).at[dst].add(1.0)
    deg_inv_sqrt = jnp.where(deg > 0, jax.lax.rsqrt(jnp.maximum(deg, 1e-12)), 0.0)
    norm = deg_inv_sqrt[src] * deg_inv_sqrt[dst]
    msg = h[src] * norm[:, None]
    out = jnp.zeros((N, h.shape[1]), dtype=h.dtype).at[dst].add(msg)
    return out + b


def reference(x, edge_index, W1, b1, W2, b2):
    # layer 1 + relu (dropout is identity in eval mode)
    h = jax.nn.relu(_gcn_conv(x, edge_index, W1, b1))
    # final layer (no activation)
    return _gcn_conv(h, edge_index, W2, b2)

if __name__ == "__main__":
    import jax
    _d = setup_inputs()
    print(jax.jit(kernel)(*tuple(_d.values())))

</pallas_src>

<mosaic_0001>
#map = affine_map<(d0, d1) -> (0, 0)>
#map1 = affine_map<(d0, d1) -> (0, 0, 0, 0)>
module attributes {stable_mosaic.version = 14 : i64} {
  func.func @_agg_body(%arg0: i32, %arg1: i32, %arg2: memref<10240x128xbf16, #tpu.memory_space<hbm>>, %arg3: memref<2560x128xi32, #tpu.memory_space<hbm>>, %arg4: memref<2560x128xi32, #tpu.memory_space<hbm>>, %arg5: memref<2x2x5248x128xbf16, #tpu.memory_space<hbm>>, %arg6: memref<80x128xi32, #tpu.memory_space<vmem>>, %arg7: memref<80x128xi32, #tpu.memory_space<vmem>>, %arg8: memref<80x128xi32, #tpu.memory_space<vmem>>, %arg9: memref<4x128x128xbf16, #tpu.memory_space<vmem>>, %arg10: memref<5248x128xbf16, #tpu.memory_space<vmem_shared>>, %arg11: memref<!tpu.dma_semaphore, #tpu.memory_space<semaphore_mem>>, %arg12: memref<!tpu.dma_semaphore, #tpu.memory_space<semaphore_mem>>, %arg13: memref<!tpu.dma_semaphore, #tpu.memory_space<semaphore_mem>>, %arg14: memref<!tpu.dma_semaphore, #tpu.memory_space<semaphore_mem>>) attributes {dimension_semantics = [#tpu.dimension_semantics<core_parallel>, #tpu.dimension_semantics<subcore_parallel>], iteration_bounds = array<i64: 2, 16>, scalar_prefetch = 0 : i64, scratch_operands = 9 : i64, tpu.core_type = #tpu.core_type<sc_vector_subcore>, window_params = [{transform_indices = #map}, {transform_indices = #map}, {transform_indices = #map}, {transform_indices = #map1}]} {
    %mul3A = arith.constant 328 : i32
    %mul3A_0 = arith.muli %arg1, %mul3A : i32
    %mul3A_1 = arith.constant 1280 : i32
    %mul3A_2 = arith.muli %arg0, %mul3A_1 : i32
    %mul3A_3 = arith.constant 80 : i32
    %mul3A_4 = arith.muli %arg1, %mul3A_3 : i32
    %add3A = arith.addi %mul3A_2, %mul3A_4 : i32
    "tpu.region"() ({
      %run_scoped3A_173 = tpu.sem_alloc : memref<!tpu.dma_semaphore, #tpu.memory_space<semaphore_mem>>
      %dma_start3A_174 = arith.constant 0 : i32
      %dma_start3A_175 = tpu.memref_slice %arg3[%add3A, %dma_start3A_174] : memref<2560x128xi32, #tpu.memory_space<hbm>> -> memref<80x128xi32, #tpu.memory_space<hbm>>
      %dma_start3A_176 = arith.constant 0 : i32
      %dma_start3A_177 = tpu.memref_slice %arg3[%add3A, %dma_start3A_176] : memref<2560x128xi32, #tpu.memory_space<hbm>> -> memref<80x128xi32, #tpu.memory_space<hbm>>
      tpu.enqueue_dma source(%dma_start3A_177 : memref<80x128xi32, #tpu.memory_space<hbm>>) target(%arg6 : memref<80x128xi32, #tpu.memory_space<vmem>>) target_semaphore(%run_scoped3A_173 : memref<!tpu.dma_semaphore, #tpu.memory_space<semaphore_mem>>)
      %dma_wait3A = arith.constant 0 : i32
      %dma_wait3A_178 = tpu.memref_slice %arg3[%add3A, %dma_wait3A] : memref<2560x128xi32, #tpu.memory_space<hbm>> -> memref<80x128xi32, #tpu.memory_space<hbm>>
      %dma_wait3A_179 = arith.constant 0 : i32
      %dma_wait3A_180 = tpu.memref_slice %arg3[%add3A, %dma_wait3A_179] : memref<2560x128xi32, #tpu.memory_space<hbm>> -> memref<80x128xi32, #tpu.memory_space<hbm>>
      tpu.wait_dma2 semaphore(%run_scoped3A_173 : memref<!tpu.dma_semaphore, #tpu.memory_space<semaphore_mem>>) src(%dma_wait3A_180 : memref<80x128xi32, #tpu.memory_space<hbm>>) dst(%arg6 : memref<80x128xi32, #tpu.memory_space<vmem>>)
      tpu.yield
    }) : () -> ()
    "tpu.region"() ({
      %run_scoped3A_173 = tpu.sem_alloc : memref<!tpu.dma_semaphore, #tpu.memory_space<semaphore_mem>>
      %dma_start3A_174 = arith.constant 0 : i32
      %dma_start3A_175 = tpu.memref_slice %arg4[%add3A, %dma_start3A_174] : memref<2560x128xi32, #tpu.memory_space<hbm>> -> memref<80x128xi32, #tpu.memory_space<hbm>>
      %dma_start3A_176 = arith.constant 0 : i32
      %dma_start3A_177 = tpu.memref_slice %arg4[%add3A, %dma_start3A_176] : memref<2560x128xi32, #tpu.memory_space<hbm>> -> memref<80x128xi32, #tpu.memory_space<hbm>>
      tpu.enqueue_dma source(%dma_start3A_177 : memref<80x128xi32, #tpu.memory_space<hbm>>) target(%arg7 : memref<80x128xi32, #tpu.memory_space<vmem>>) target_semaphore(%run_scoped3A_173 : memref<!tpu.dma_semaphore, #tpu.memory_space<semaphore_mem>>)
      %dma_wait3A = arith.constant 0 : i32
      %dma_wait3A_178 = tpu.memref_slice %arg4[%add3A, %dma_wait3A] : memref<2560x128xi32, #tpu.memory_space<hbm>> -> memref<80x128xi32, #tpu.memory_space<hbm>>
      %dma_wait3A_179 = arith.constant 0 : i32
      %dma_wait3A_180 = tpu.memref_slice %arg4[%add3A, %dma_wait3A_179] : memref<2560x128xi32, #tpu.memory_space<hbm>> -> memref<80x128xi32, #tpu.memory_space<hbm>>
      tpu.wait_dma2 semaphore(%run_scoped3A_173 : memref<!tpu.dma_semaphore, #tpu.memory_space<semaphore_mem>>) src(%dma_wait3A_180 : memref<80x128xi32, #tpu.memory_space<hbm>>) dst(%arg7 : memref<80x128xi32, #tpu.memory_space<vmem>>)
      tpu.yield
    }) : () -> ()
    %scan3A = arith.constant 0 : i32
    %scan3A_5 = arith.constant 0 : i32
    %scan3A_6 = arith.constant 640 : i32
    %scan3A_7 = arith.addi %scan3A_5, %scan3A_6 : i32
    %scan3A_8 = arith.constant 1 : i32
    scf.for %scan3A_173 = %scan3A_5 to %scan3A_7 step %scan3A_8  : i32 {
      %jit3A = arith.constant 8 : i32
      %div3A = arith.divsi %scan3A_173, %jit3A : i32
      %sign3A = arith.constant 0 : i32
      %sign3A_174 = arith.cmpi sgt, %scan3A_173, %sign3A : i32
      %sign3A_175 = arith.extui %sign3A_174 : i1 to i32
      %sign3A_176 = arith.constant 0 : i32
      %sign3A_177 = arith.cmpi slt, %scan3A_173, %sign3A_176 : i32
      %sign3A_178 = arith.extui %sign3A_177 : i1 to i32
      %sign3A_179 = arith.subi %sign3A_175, %sign3A_178 : i32
      %sign3A_180 = arith.constant 0 : i32
      %sign3A_181 = arith.cmpi sgt, %jit3A, %sign3A_180 : i32
      %sign3A_182 = arith.extui %sign3A_181 : i1 to i32
      %sign3A_183 = arith.constant 0 : i32
      %sign3A_184 = arith.cmpi slt, %jit3A, %sign3A_183 : i32
      %sign3A_185 = arith.extui %sign3A_184 : i1 to i32
      %sign3A_186 = arith.subi %sign3A_182, %sign3A_185 : i32
      %ne3A = arith.cmpi ne, %sign3A_179, %sign3A_186 : i32
      %rem3A = arith.remsi %scan3A_173, %jit3A : i32
      %ne3A_187 = arith.constant 0 : i32
      %ne3A_188 = arith.cmpi ne, %rem3A, %ne3A_187 : i32
      %and3A = arith.andi %ne3A, %ne3A_188 : i1
      %sub3A = arith.constant 1 : i32
      %sub3A_189 = arith.subi %div3A, %sub3A : i32
      %select_n3A = arith.select %and3A, %sub3A_189, %div3A : i32
      %jit3A_190 = arith.constant 8 : i32
      %eq3A = arith.constant 0 : i32
      %eq3A_191 = arith.cmpi eq, %jit3A_190, %eq3A : i32
      %jit3A_192 = arith.constant 1 : i32
      %select_n3A_193 = arith.select %eq3A_191, %jit3A_192, %jit3A_190 : i32
      %rem3A_194 = arith.remsi %scan3A_173, %select_n3A_193 : i32
      %ne3A_195 = arith.constant 0 : i32
      %ne3A_196 = arith.cmpi ne, %rem3A_194, %ne3A_195 : i32
      %lt3A = arith.constant 0 : i32
      %lt3A_197 = arith.cmpi slt, %rem3A_194, %lt3A : i32
      %lt3A_198 = arith.constant 0 : i32
      %lt3A_199 = arith.cmpi slt, %select_n3A_193, %lt3A_198 : i32
      %ne3A_200 = arith.xori %lt3A_197, %lt3A_199 : i1
      %and3A_201 = arith.andi %ne3A_200, %ne3A_196 : i1
      %add3A_202 = arith.addi %rem3A_194, %select_n3A_193 : i32
      %select_n3A_203 = arith.select %and3A_201, %add3A_202, %rem3A_194 : i32
      %mul3A_204 = arith.constant 16 : i32
      %mul3A_205 = arith.muli %select_n3A_203, %mul3A_204 : i32
      %get3A = arith.index_cast %select_n3A : i32 to index
      %get3A_206 = arith.index_cast %mul3A_205 : i32 to index
      %get3A_207 = tpu.vector_load %arg7[%get3A, %get3A_206] {strides = array<i32>} : memref<80x128xi32, #tpu.memory_space<vmem>>, vector<1x16xi32>,
      %get3A_208 = vector.shape_cast %get3A_207 : vector<1x16xi32> to vector<16xi32>
      %sub3A_209 = arith.constant 0 : i32
      %sub3A_210 = vector.broadcast %sub3A_209 : i32 to vector<16xi32>
      %sub3A_211 = arith.subi %get3A_208, %sub3A_210 : vector<16xi32>
      %ge3A = arith.constant 0 : i32
      %ge3A_212 = vector.broadcast %ge3A : i32 to vector<16xi32>
      %ge3A_213 = arith.cmpi sge, %sub3A_211, %ge3A_212 : vector<16xi32>
      %lt3A_214 = arith.constant 5120 : i32
      %lt3A_215 = vector.broadcast %lt3A_214 : i32 to vector<16xi32>
      %lt3A_216 = arith.cmpi slt, %sub3A_211, %lt3A_215 : vector<16xi32>
      %and3A_217 = arith.andi %ge3A_213, %lt3A_216 : vector<16xi1>
      %jit3A_218 = arith.constant 128 : i32
      %eq3A_219 = arith.constant 0 : i32
      %eq3A_220 = arith.cmpi eq, %jit3A_218, %eq3A_219 : i32
      %jit3A_221 = arith.constant 1 : i32
      %select_n3A_222 = arith.select %eq3A_220, %jit3A_221, %jit3A_218 : i32
      %rem3A_223 = arith.remsi %scan3A_173, %select_n3A_222 : i32
      %ne3A_224 = arith.constant 0 : i32
      %ne3A_225 = arith.cmpi ne, %rem3A_223, %ne3A_224 : i32
      %lt3A_226 = arith.constant 0 : i32
      %lt3A_227 = arith.cmpi slt, %rem3A_223, %lt3A_226 : i32
      %lt3A_228 = arith.constant 0 : i32
      %lt3A_229 = arith.cmpi slt, %select_n3A_222, %lt3A_228 : i32
      %ne3A_230 = arith.xori %lt3A_227, %lt3A_229 : i1
      %and3A_231 = arith.andi %ne3A_230, %ne3A_225 : i1
      %add3A_232 = arith.addi %rem3A_223, %select_n3A_222 : i32
      %select_n3A_233 = arith.select %and3A_231, %add3A_232, %rem3A_223 : i32
      %add3A_234 = arith.constant 5120 : i32
      %add3A_235 = arith.addi %add3A_234, %select_n3A_233 : i32
      %broadcast_in_dim3A = vector.broadcast %add3A_235 : i32 to vector<16xi32>
      %select_n3A_236 = arith.select %and3A_217, %sub3A_211, %broadcast_in_dim3A : vector<16xi1>, vector<16xi32>
      %mul3A_237 = arith.constant 16 : i32
      %mul3A_238 = arith.muli %select_n3A_203, %mul3A_237 : i32
      %swap3A = arith.index_cast %select_n3A : i32 to index
      %swap3A_239 = arith.index_cast %mul3A_238 : i32 to index
      %swap3A_240 = tpu.vector_load %arg8[%swap3A, %swap3A_239] {strides = array<i32>} : memref<80x128xi32, #tpu.memory_space<vmem>>, vector<1x16xi32>,
      %swap3A_241 = vector.shape_cast %swap3A_240 : vector<1x16xi32> to vector<16xi32>
      %swap3A_242 = vector.shape_cast %select_n3A_236 : vector<16xi32> to vector<1x16xi32>
      tpu.vector_store %arg8[%swap3A, %swap3A_239], %swap3A_242 {strides = array<i32>} : memref<80x128xi32, #tpu.memory_space<vmem>>, vector<1x16xi32>,
    }
    %scan3A_9 = arith.constant 640 : i32
    %scan3A_10 = arith.constant 0 : i32
    %scan3A_11 = arith.constant 0 : i32
    %scan3A_12 = arith.constant 512 : i32
    %scan3A_13 = arith.addi %scan3A_11, %scan3A_12 : i32
    %scan3A_14 = arith.constant 1 : i32
    scf.for %scan3A_173 = %scan3A_11 to %scan3A_13 step %scan3A_14  : i32 {
      %jit3A = arith.constant 4 : i32
      %div3A = arith.divsi %scan3A_173, %jit3A : i32
      %sign3A = arith.constant 0 : i32
      %sign3A_174 = arith.cmpi sgt, %scan3A_173, %sign3A : i32
      %sign3A_175 = arith.extui %sign3A_174 : i1 to i32
      %sign3A_176 = arith.constant 0 : i32
      %sign3A_177 = arith.cmpi slt, %scan3A_173, %sign3A_176 : i32
      %sign3A_178 = arith.extui %sign3A_177 : i1 to i32
      %sign3A_179 = arith.subi %sign3A_175, %sign3A_178 : i32
      %sign3A_180 = arith.constant 0 : i32
      %sign3A_181 = arith.cmpi sgt, %jit3A, %sign3A_180 : i32
      %sign3A_182 = arith.extui %sign3A_181 : i1 to i32
      %sign3A_183 = arith.constant 0 : i32
      %sign3A_184 = arith.cmpi slt, %jit3A, %sign3A_183 : i32
      %sign3A_185 = arith.extui %sign3A_184 : i1 to i32
      %sign3A_186 = arith.subi %sign3A_182, %sign3A_185 : i32
      %ne3A = arith.cmpi ne, %sign3A_179, %sign3A_186 : i32
      %rem3A = arith.remsi %scan3A_173, %jit3A : i32
      %ne3A_187 = arith.constant 0 : i32
      %ne3A_188 = arith.cmpi ne, %rem3A, %ne3A_187 : i32
      %and3A = arith.andi %ne3A, %ne3A_188 : i1
      %sub3A = arith.constant 1 : i32
      %sub3A_189 = arith.subi %div3A, %sub3A : i32
      %select_n3A = arith.select %and3A, %sub3A_189, %div3A : i32
      %jit3A_190 = arith.constant 4 : i32
      %eq3A = arith.constant 0 : i32
      %eq3A_191 = arith.cmpi eq, %jit3A_190, %eq3A : i32
      %jit3A_192 = arith.constant 1 : i32
      %select_n3A_193 = arith.select %eq3A_191, %jit3A_192, %jit3A_190 : i32
      %rem3A_194 = arith.remsi %scan3A_173, %select_n3A_193 : i32
      %ne3A_195 = arith.constant 0 : i32
      %ne3A_196 = arith.cmpi ne, %rem3A_194, %ne3A_195 : i32
      %lt3A = arith.constant 0 : i32
      %lt3A_197 = arith.cmpi slt, %rem3A_194, %lt3A : i32
      %lt3A_198 = arith.constant 0 : i32
      %lt3A_199 = arith.cmpi slt, %select_n3A_193, %lt3A_198 : i32
      %ne3A_200 = arith.xori %lt3A_197, %lt3A_199 : i1
      %and3A_201 = arith.andi %ne3A_200, %ne3A_196 : i1
      %add3A_202 = arith.addi %rem3A_194, %select_n3A_193 : i32
      %select_n3A_203 = arith.select %and3A_201, %add3A_202, %rem3A_194 : i32
      %broadcast_in_dim3A = arith.constant 0.000000e+00 : bf16
      %broadcast_in_dim3A_204 = vector.broadcast %broadcast_in_dim3A : bf16 to vector<32xbf16>
      %mul3A_205 = arith.constant 32 : i32
      %mul3A_206 = arith.muli %select_n3A_203, %mul3A_205 : i32
      %swap3A = arith.constant 0 : i32
      %swap3A_207 = arith.index_cast %swap3A : i32 to index
      %swap3A_208 = arith.index_cast %select_n3A : i32 to index
      %swap3A_209 = arith.index_cast %mul3A_206 : i32 to index
      %swap3A_210 = tpu.vector_load %arg9[%swap3A_207, %swap3A_208, %swap3A_209] {strides = array<i32>} : memref<4x128x128xbf16, #tpu.memory_space<vmem>>, vector<1x1x32xbf16>,
      %swap3A_211 = vector.shape_cast %swap3A_210 : vector<1x1x32xbf16> to vector<32xbf16>
      %swap3A_212 = vector.shape_cast %broadcast_in_dim3A_204 : vector<32xbf16> to vector<1x1x32xbf16>
      tpu.vector_store %arg9[%swap3A_207, %swap3A_208, %swap3A_209], %swap3A_212 {strides = array<i32>} : memref<4x128x128xbf16, #tpu.memory_space<vmem>>, vector<1x1x32xbf16>,
    }
    %scan3A_15 = arith.constant 512 : i32
    %add3A_16 = arith.constant 0 : i32
    %add3A_17 = arith.addi %mul3A_0, %add3A_16 : i32
    %run_scoped3A = arith.constant 0 : i32
    "tpu.region"() ({
      %run_scoped3A_173 = tpu.sem_alloc : memref<!tpu.dma_semaphore, #tpu.memory_space<semaphore_mem>>
      %dma_start3A_174 = arith.constant 0 : i32
      %dma_start3A_175 = arith.constant 0 : i32
      %dma_start3A_176 = tpu.memref_slice %arg9[%run_scoped3A, %dma_start3A_174, %dma_start3A_175] : memref<4x128x128xbf16, #tpu.memory_space<vmem>> -> memref<1x128x128xbf16, #tpu.memory_space<vmem>>
      %dma_start3A_177 = tpu.memref_squeeze %dma_start3A_176 : memref<1x128x128xbf16, #tpu.memory_space<vmem>> -> memref<128x128xbf16, #tpu.memory_space<vmem>>
      %dma_start3A_178 = arith.constant 0 : i32
      %dma_start3A_179 = tpu.memref_slice %arg10[%add3A_17, %dma_start3A_178] : memref<5248x128xbf16, #tpu.memory_space<vmem_shared>> -> memref<128x128xbf16, #tpu.memory_space<vmem_shared>>
      %dma_start3A_180 = arith.constant 0 : i32
      %dma_start3A_181 = tpu.memref_slice %arg10[%add3A_17, %dma_start3A_180] : memref<5248x128xbf16, #tpu.memory_space<vmem_shared>> -> memref<128x128xbf16, #tpu.memory_space<vmem_shared>>
      %dma_start3A_182 = arith.constant 0 : i32
      %dma_start3A_183 = arith.constant 0 : i32
      %dma_start3A_184 = tpu.memref_slice %arg9[%run_scoped3A, %dma_start3A_182, %dma_start3A_183] : memref<4x128x128xbf16, #tpu.memory_space<vmem>> -> memref<1x128x128xbf16, #tpu.memory_space<vmem>>
      %dma_start3A_185 = tpu.memref_squeeze %dma_start3A_184 : memref<1x128x128xbf16, #tpu.memory_space<vmem>> -> memref<128x128xbf16, #tpu.memory_space<vmem>>
      tpu.enqueue_dma source(%dma_start3A_185 : memref<128x128xbf16, #tpu.memory_space<vmem>>) target(%dma_start3A_181 : memref<128x128xbf16, #tpu.memory_space<vmem_shared>>) target_semaphore(%run_scoped3A_173 : memref<!tpu.dma_semaphore, #tpu.memory_space<semaphore_mem>>)
      %dma_wait3A = arith.constant 0 : i32
      %dma_wait3A_186 = arith.constant 0 : i32
      %dma_wait3A_187 = tpu.memref_slice %arg9[%run_scoped3A, %dma_wait3A, %dma_wait3A_186] : memref<4x128x128xbf16, #tpu.memory_space<vmem>> -> memref<1x128x128xbf16, #tpu.memory_space<vmem>>
      %dma_wait3A_188 = tpu.memref_squeeze %dma_wait3A_187 : memref<1x128x128xbf16, #tpu.memory_space<vmem>> -> memref<128x128xbf16, #tpu.memory_space<vmem>>
      %dma_wait3A_189 = arith.constant 0 : i32
      %dma_wait3A_190 = tpu.memref_slice %arg10[%add3A_17, %dma_wait3A_189] : memref<5248x128xbf16, #tpu.memory_space<vmem_shared>> -> memref<128x128xbf16, #tpu.memory_space<vmem_shared>>
      %dma_wait3A_191 = arith.constant 0 : i32
      %dma_wait3A_192 = tpu.memref_slice %arg10[%add3A_17, %dma_wait3A_191] : memref<5248x128xbf16, #tpu.memory_space<vmem_shared>> -> memref<128x128xbf16, #tpu.memory_space<vmem_shared>>
      %dma_wait3A_193 = arith.constant 0 : i32
      %dma_wait3A_194 = arith.constant 0 : i32
      %dma_wait3A_195 = tpu.memref_slice %arg9[%run_scoped3A, %dma_wait3A_193, %dma_wait3A_194] : memref<4x128x128xbf16, #tpu.memory_space<vmem>> -> memref<1x128x128xbf16, #tpu.memory_space<vmem>>
      %dma_wait3A_196 = tpu.memref_squeeze %dma_wait3A_195 : memref<1x128x128xbf16, #tpu.memory_space<vmem>> -> memref<128x128xbf16, #tpu.memory_space<vmem>>
      tpu.wait_dma2 semaphore(%run_scoped3A_173 : memref<!tpu.dma_semaphore, #tpu.memory_space<semaphore_mem>>) src(%dma_wait3A_196 : memref<128x128xbf16, #tpu.memory_space<vmem>>) dst(%dma_wait3A_192 : memref<128x128xbf16, #tpu.memory_space<vmem_shared>>)
      tpu.yield
    }) : () -> ()
    %add3A_18 = arith.constant 128 : i32
    %add3A_19 = arith.addi %mul3A_0, %add3A_18 : i32
    %run_scoped3A_20 = arith.constant 0 : i32
    "tpu.region"() ({
      %run_scoped3A_173 = tpu.sem_alloc : memref<!tpu.dma_semaphore, #tpu.memory_space<semaphore_mem>>
      %dma_start3A_174 = arith.constant 0 : i32
      %dma_start3A_175 = arith.constant 0 : i32
      %dma_start3A_176 = tpu.memref_slice %arg9[%run_scoped3A_20, %dma_start3A_174, %dma_start3A_175] : memref<4x128x128xbf16, #tpu.memory_space<vmem>> -> memref<1x128x128xbf16, #tpu.memory_space<vmem>>
      %dma_start3A_177 = tpu.memref_squeeze %dma_start3A_176 : memref<1x128x128xbf16, #tpu.memory_space<vmem>> -> memref<128x128xbf16, #tpu.memory_space<vmem>>
      %dma_start3A_178 = arith.constant 0 : i32
      %dma_start3A_179 = tpu.memref_slice %arg10[%add3A_19, %dma_start3A_178] : memref<5248x128xbf16, #tpu.memory_space<vmem_shared>> -> memref<128x128xbf16, #tpu.memory_space<vmem_shared>>
      %dma_start3A_180 = arith.constant 0 : i32
      %dma_start3A_181 = tpu.memref_slice %arg10[%add3A_19, %dma_start3A_180] : memref<5248x128xbf16, #tpu.memory_space<vmem_shared>> -> memref<128x128xbf16, #tpu.memory_space<vmem_shared>>
      %dma_start3A_182 = arith.constant 0 : i32
      %dma_start3A_183 = arith.constant 0 : i32
      %dma_start3A_184 = tpu.memref_slice %arg9[%run_scoped3A_20, %dma_start3A_182, %dma_start3A_183] : memref<4x128x128xbf16, #tpu.memory_space<vmem>> -> memref<1x128x128xbf16, #tpu.memory_space<vmem>>
      %dma_start3A_185 = tpu.memref_squeeze %dma_start3A_184 : memref<1x128x128xbf16, #tpu.memory_space<vmem>> -> memref<128x128xbf16, #tpu.memory_space<vmem>>
      tpu.enqueue_dma source(%dma_start3A_185 : memref<128x128xbf16, #tpu.memory_space<vmem>>) target(%dma_start3A_181 : memref<128x128xbf16, #tpu.memory_space<vmem_shared>>) target_semaphore(%run_scoped3A_173 : memref<!tpu.dma_semaphore, #tpu.memory_space<semaphore_mem>>)
      %dma_wait3A = arith.constant 0 : i32
      %dma_wait3A_186 = arith.constant 0 : i32
      %dma_wait3A_187 = tpu.memref_slice %arg9[%run_scoped3A_20, %dma_wait3A, %dma_wait3A_186] : memref<4x128x128xbf16, #tpu.memory_space<vmem>> -> memref<1x128x128xbf16, #tpu.memory_space<vmem>>
      %dma_wait3A_188 = tpu.memref_squeeze %dma_wait3A_187 : memref<1x128x128xbf16, #tpu.memory_space<vmem>> -> memref<128x128xbf16, #tpu.memory_space<vmem>>
      %dma_wait3A_189 = arith.constant 0 : i32
      %dma_wait3A_190 = tpu.memref_slice %arg10[%add3A_19, %dma_wait3A_189] : memref<5248x128xbf16, #tpu.memory_space<vmem_shared>> -> memref<128x128xbf16, #tpu.memory_space<vmem_shared>>
      %dma_wait3A_191 = arith.constant 0 : i32
      %dma_wait3A_192 = tpu.memref_slice %arg10[%add3A_19, %dma_wait3A_191] : memref<5248x128xbf16, #tpu.memory_space<vmem_shared>> -> memref<128x128xbf16, #tpu.memory_space<vmem_shared>>
      %dma_wait3A_193 = arith.constant 0 : i32
      %dma_wait3A_194 = arith.constant 0 : i32
      %dma_wait3A_195 = tpu.memref_slice %arg9[%run_scoped3A_20, %dma_wait3A_193, %dma_wait3A_194] : memref<4x128x128xbf16, #tpu.memory_space<vmem>> -> memref<1x128x128xbf16, #tpu.memory_space<vmem>>
      %dma_wait3A_196 = tpu.memref_squeeze %dma_wait3A_195 : memref<1x128x128xbf16, #tpu.memory_space<vmem>> -> memref<128x128xbf16, #tpu.memory_space<vmem>>
      tpu.wait_dma2 semaphore(%run_scoped3A_173 : memref<!tpu.dma_semaphore, #tpu.memory_space<semaphore_mem>>) src(%dma_wait3A_196 : memref<128x128xbf16, #tpu.memory_space<vmem>>) dst(%dma_wait3A_192 : memref<128x128xbf16, #tpu.memory_space<vmem_shared>>)
      tpu.yield
    }) : () -> ()
    %add3A_21 = arith.constant 256 : i32
    %add3A_22 = arith.addi %mul3A_0, %add3A_21 : i32
    %run_scoped3A_23 = arith.constant 0 : i32
    "tpu.region"() ({
      %run_scoped3A_173 = tpu.sem_alloc : memref<!tpu.dma_semaphore, #tpu.memory_space<semaphore_mem>>
      %dma_start3A_174 = arith.constant 0 : i32
      %dma_start3A_175 = arith.constant 0 : i32
      %dma_start3A_176 = tpu.memref_slice %arg9[%run_scoped3A_23, %dma_start3A_174, %dma_start3A_175] : memref<4x128x128xbf16, #tpu.memory_space<vmem>> -> memref<1x72x128xbf16, #tpu.memory_space<vmem>>
      %dma_start3A_177 = tpu.memref_squeeze %dma_start3A_176 : memref<1x72x128xbf16, #tpu.memory_space<vmem>> -> memref<72x128xbf16, #tpu.memory_space<vmem>>
      %dma_start3A_178 = arith.constant 0 : i32
      %dma_start3A_179 = tpu.memref_slice %arg10[%add3A_22, %dma_start3A_178] : memref<5248x128xbf16, #tpu.memory_space<vmem_shared>> -> memref<72x128xbf16, #tpu.memory_space<vmem_shared>>
      %dma_start3A_180 = arith.constant 0 : i32
      %dma_start3A_181 = tpu.memref_slice %arg10[%add3A_22, %dma_start3A_180] : memref<5248x128xbf16, #tpu.memory_space<vmem_shared>> -> memref<72x128xbf16, #tpu.memory_space<vmem_shared>>
      %dma_start3A_182 = arith.constant 0 : i32
      %dma_start3A_183 = arith.constant 0 : i32
      %dma_start3A_184 = tpu.memref_slice %arg9[%run_scoped3A_23, %dma_start3A_182, %dma_start3A_183] : memref<4x128x128xbf16, #tpu.memory_space<vmem>> -> memref<1x72x128xbf16, #tpu.memory_space<vmem>>
      %dma_start3A_185 = tpu.memref_squeeze %dma_start3A_184 : memref<1x72x128xbf16, #tpu.memory_space<vmem>> -> memref<72x128xbf16, #tpu.memory_space<vmem>>
      tpu.enqueue_dma source(%dma_start3A_185 : memref<72x128xbf16, #tpu.memory_space<vmem>>) target(%dma_start3A_181 : memref<72x128xbf16, #tpu.memory_space<vmem_shared>>) target_semaphore(%run_scoped3A_173 : memref<!tpu.dma_semaphore, #tpu.memory_space<semaphore_mem>>)
      %dma_wait3A = arith.constant 0 : i32
      %dma_wait3A_186 = arith.constant 0 : i32
      %dma_wait3A_187 = tpu.memref_slice %arg9[%run_scoped3A_23, %dma_wait3A, %dma_wait3A_186] : memref<4x128x128xbf16, #tpu.memory_space<vmem>> -> memref<1x72x128xbf16, #tpu.memory_space<vmem>>
      %dma_wait3A_188 = tpu.memref_squeeze %dma_wait3A_187 : memref<1x72x128xbf16, #tpu.memory_space<vmem>> -> memref<72x128xbf16, #tpu.memory_space<vmem>>
      %dma_wait3A_189 = arith.constant 0 : i32
      %dma_wait3A_190 = tpu.memref_slice %arg10[%add3A_22, %dma_wait3A_189] : memref<5248x128xbf16, #tpu.memory_space<vmem_shared>> -> memref<72x128xbf16, #tpu.memory_space<vmem_shared>>
      %dma_wait3A_191 = arith.constant 0 : i32
      %dma_wait3A_192 = tpu.memref_slice %arg10[%add3A_22, %dma_wait3A_191] : memref<5248x128xbf16, #tpu.memory_space<vmem_shared>> -> memref<72x128xbf16, #tpu.memory_space<vmem_shared>>
      %dma_wait3A_193 = arith.constant 0 : i32
      %dma_wait3A_194 = arith.constant 0 : i32
      %dma_wait3A_195 = tpu.memref_slice %arg9[%run_scoped3A_23, %dma_wait3A_193, %dma_wait3A_194] : memref<4x128x128xbf16, #tpu.memory_space<vmem>> -> memref<1x72x128xbf16, #tpu.memory_space<vmem>>
      %dma_wait3A_196 = tpu.memref_squeeze %dma_wait3A_195 : memref<1x72x128xbf16, #tpu.memory_space<vmem>> -> memref<72x128xbf16, #tpu.memory_space<vmem>>
      tpu.wait_dma2 semaphore(%run_scoped3A_173 : memref<!tpu.dma_semaphore, #tpu.memory_space<semaphore_mem>>) src(%dma_wait3A_196 : memref<72x128xbf16, #tpu.memory_space<vmem>>) dst(%dma_wait3A_192 : memref<72x128xbf16, #tpu.memory_space<vmem_shared>>)
      tpu.yield
    }) : () -> ()
    %barrier3A = arith.constant 0 : index
    tpu.barrier barrier_id(%barrier3A)
    %dma_start3A = arith.constant 0 : i32
    %dma_start3A_24 = arith.constant 0 : i32
    %dma_start3A_25 = arith.constant 0 : i32
    %dma_start3A_26 = arith.constant 0 : i32
    %dma_start3A_27 = tpu.memref_slice %arg9[%dma_start3A_24, %dma_start3A_25, %dma_start3A_26] : memref<4x128x128xbf16, #tpu.memory_space<vmem>> -> memref<1x128x128xbf16, #tpu.memory_space<vmem>>
    %dma_start3A_28 = tpu.memref_squeeze %dma_start3A_27 : memref<1x128x128xbf16, #tpu.memory_space<vmem>> -> memref<128x128xbf16, #tpu.memory_space<vmem>>
    %dma_start3A_29 = arith.constant 0 : i32
    %dma_start3A_30 = tpu.memref_slice %arg6[%dma_start3A, %dma_start3A_29] : memref<80x128xi32, #tpu.memory_space<vmem>> -> memref<1x128xi32, #tpu.memory_space<vmem>>
    %dma_start3A_31 = tpu.memref_squeeze %dma_start3A_30 : memref<1x128xi32, #tpu.memory_space<vmem>> -> memref<128xi32, #tpu.memory_space<vmem>>
    %dma_start3A_32 = arith.constant 0 : i32
    %dma_start3A_33 = arith.constant 0 : i32
    %dma_start3A_34 = tpu.memref_slice %arg2[%dma_start3A_32, %dma_start3A_33] : memref<10240x128xbf16, #tpu.memory_space<hbm>> -> memref<10240x128xbf16, #tpu.memory_space<hbm>>
    tpu.enqueue_indirect_dma source(%dma_start3A_34 : memref<10240x128xbf16, #tpu.memory_space<hbm>>) target(%dma_start3A_28 : memref<128x128xbf16, #tpu.memory_space<vmem>>) offsets(%dma_start3A_31 : memref<128xi32, #tpu.memory_space<vmem>>) semaphore(%arg11 : memref<!tpu.dma_semaphore, #tpu.memory_space<semaphore_mem>>)
    %dma_start3A_35 = arith.constant 1 : i32
    %dma_start3A_36 = arith.constant 1 : i32
    %dma_start3A_37 = arith.constant 0 : i32
    %dma_start3A_38 = arith.constant 0 : i32
    %dma_start3A_39 = tpu.memref_slice %arg9[%dma_start3A_36, %dma_start3A_37, %dma_start3A_38] : memref<4x128x128xbf16, #tpu.memory_space<vmem>> -> memref<1x128x128xbf16, #tpu.memory_space<vmem>>
    %dma_start3A_40 = tpu.memref_squeeze %dma_start3A_39 : memref<1x128x128xbf16, #tpu.memory_space<vmem>> -> memref<128x128xbf16, #tpu.memory_space<vmem>>
    %dma_start3A_41 = arith.constant 0 : i32
    %dma_start3A_42 = tpu.memref_slice %arg6[%dma_start3A_35, %dma_start3A_41] : memref<80x128xi32, #tpu.memory_space<vmem>> -> memref<1x128xi32, #tpu.memory_space<vmem>>
    %dma_start3A_43 = tpu.memref_squeeze %dma_start3A_42 : memref<1x128xi32, #tpu.memory_space<vmem>> -> memref<128xi32, #tpu.memory_space<vmem>>
    %dma_start3A_44 = arith.constant 0 : i32
    %dma_start3A_45 = arith.constant 0 : i32
    %dma_start3A_46 = tpu.memref_slice %arg2[%dma_start3A_44, %dma_start3A_45] : memref<10240x128xbf16, #tpu.memory_space<hbm>> -> memref<10240x128xbf16, #tpu.memory_space<hbm>>
    tpu.enqueue_indirect_dma source(%dma_start3A_46 : memref<10240x128xbf16, #tpu.memory_space<hbm>>) target(%dma_start3A_40 : memref<128x128xbf16, #tpu.memory_space<vmem>>) offsets(%dma_start3A_43 : memref<128xi32, #tpu.memory_space<vmem>>) semaphore(%arg12 : memref<!tpu.dma_semaphore, #tpu.memory_space<semaphore_mem>>)
    %dma_start3A_47 = arith.constant 2 : i32
    %dma_start3A_48 = arith.constant 2 : i32
    %dma_start3A_49 = arith.constant 0 : i32
    %dma_start3A_50 = arith.constant 0 : i32
    %dma_start3A_51 = tpu.memref_slice %arg9[%dma_start3A_48, %dma_start3A_49, %dma_start3A_50] : memref<4x128x128xbf16, #tpu.memory_space<vmem>> -> memref<1x128x128xbf16, #tpu.memory_space<vmem>>
    %dma_start3A_52 = tpu.memref_squeeze %dma_start3A_51 : memref<1x128x128xbf16, #tpu.memory_space<vmem>> -> memref<128x128xbf16, #tpu.memory_space<vmem>>
    %dma_start3A_53 = arith.constant 0 : i32
    %dma_start3A_54 = tpu.memref_slice %arg6[%dma_start3A_47, %dma_start3A_53] : memref<80x128xi32, #tpu.memory_space<vmem>> -> memref<1x128xi32, #tpu.memory_space<vmem>>
    %dma_start3A_55 = tpu.memref_squeeze %dma_start3A_54 : memref<1x128xi32, #tpu.memory_space<vmem>> -> memref<128xi32, #tpu.memory_space<vmem>>
    %dma_start3A_56 = arith.constant 0 : i32
    %dma_start3A_57 = arith.constant 0 : i32
    %dma_start3A_58 = tpu.memref_slice %arg2[%dma_start3A_56, %dma_start3A_57] : memref<10240x128xbf16, #tpu.memory_space<hbm>> -> memref<10240x128xbf16, #tpu.memory_space<hbm>>
    tpu.enqueue_indirect_dma source(%dma_start3A_58 : memref<10240x128xbf16, #tpu.memory_space<hbm>>) target(%dma_start3A_52 : memref<128x128xbf16, #tpu.memory_space<vmem>>) offsets(%dma_start3A_55 : memref<128xi32, #tpu.memory_space<vmem>>) semaphore(%arg13 : memref<!tpu.dma_semaphore, #tpu.memory_space<semaphore_mem>>)
    %dma_start3A_59 = arith.constant 3 : i32
    %dma_start3A_60 = arith.constant 3 : i32
    %dma_start3A_61 = arith.constant 0 : i32
    %dma_start3A_62 = arith.constant 0 : i32
    %dma_start3A_63 = tpu.memref_slice %arg9[%dma_start3A_60, %dma_start3A_61, %dma_start3A_62] : memref<4x128x128xbf16, #tpu.memory_space<vmem>> -> memref<1x128x128xbf16, #tpu.memory_space<vmem>>
    %dma_start3A_64 = tpu.memref_squeeze %dma_start3A_63 : memref<1x128x128xbf16, #tpu.memory_space<vmem>> -> memref<128x128xbf16, #tpu.memory_space<vmem>>
    %dma_start3A_65 = arith.constant 0 : i32
    %dma_start3A_66 = tpu.memref_slice %arg6[%dma_start3A_59, %dma_start3A_65] : memref<80x128xi32, #tpu.memory_space<vmem>> -> memref<1x128xi32, #tpu.memory_space<vmem>>
    %dma_start3A_67 = tpu.memref_squeeze %dma_start3A_66 : memref<1x128xi32, #tpu.memory_space<vmem>> -> memref<128xi32, #tpu.memory_space<vmem>>
    %dma_start3A_68 = arith.constant 0 : i32
    %dma_start3A_69 = arith.constant 0 : i32
    %dma_start3A_70 = tpu.memref_slice %arg2[%dma_start3A_68, %dma_start3A_69] : memref<10240x128xbf16, #tpu.memory_space<hbm>> -> memref<10240x128xbf16, #tpu.memory_space<hbm>>
    tpu.enqueue_indirect_dma source(%dma_start3A_70 : memref<10240x128xbf16, #tpu.memory_space<hbm>>) target(%dma_start3A_64 : memref<128x128xbf16, #tpu.memory_space<vmem>>) offsets(%dma_start3A_67 : memref<128xi32, #tpu.memory_space<vmem>>) semaphore(%arg14 : memref<!tpu.dma_semaphore, #tpu.memory_space<semaphore_mem>>)
    %scan3A_71 = arith.constant 0 : i32
    %scan3A_72 = arith.constant 0 : i32
    %scan3A_73 = arith.constant 20 : i32
    %scan3A_74 = arith.addi %scan3A_72, %scan3A_73 : i32
    %scan3A_75 = arith.constant 1 : i32
    scf.for %scan3A_173 = %scan3A_72 to %scan3A_74 step %scan3A_75  : i32 {
      %mul3A_174 = arith.constant 4 : i32
      %mul3A_175 = arith.muli %scan3A_173, %mul3A_174 : i32
      %add3A_176 = arith.constant 0 : i32
      %add3A_177 = arith.addi %mul3A_175, %add3A_176 : i32
      %dma_wait3A = arith.constant 0 : i32
      %dma_wait3A_178 = arith.constant 0 : i32
      %dma_wait3A_179 = arith.constant 0 : i32
      %dma_wait3A_180 = tpu.memref_slice %arg9[%dma_wait3A, %dma_wait3A_178, %dma_wait3A_179] : memref<4x128x128xbf16, #tpu.memory_space<vmem>> -> memref<1x128x128xbf16, #tpu.memory_space<vmem>>
      %dma_wait3A_181 = tpu.memref_squeeze %dma_wait3A_180 : memref<1x128x128xbf16, #tpu.memory_space<vmem>> -> memref<128x128xbf16, #tpu.memory_space<vmem>>
      %dma_wait3A_182 = arith.constant 0 : i32
      %dma_wait3A_183 = tpu.memref_slice %arg6[%add3A_177, %dma_wait3A_182] : memref<80x128xi32, #tpu.memory_space<vmem>> -> memref<1x128xi32, #tpu.memory_space<vmem>>
      %dma_wait3A_184 = tpu.memref_squeeze %dma_wait3A_183 : memref<1x128xi32, #tpu.memory_space<vmem>> -> memref<128xi32, #tpu.memory_space<vmem>>
      %dma_wait3A_185 = arith.constant 0 : i32
      %dma_wait3A_186 = arith.constant 0 : i32
      %dma_wait3A_187 = tpu.memref_slice %arg2[%dma_wait3A_185, %dma_wait3A_186] : memref<10240x128xbf16, #tpu.memory_space<hbm>> -> memref<10240x128xbf16, #tpu.memory_space<hbm>>
      tpu.wait_indirect_dma semaphore(%arg11 : memref<!tpu.dma_semaphore, #tpu.memory_space<semaphore_mem>>) src(%dma_wait3A_187 : memref<10240x128xbf16, #tpu.memory_space<hbm>>) dst(%dma_wait3A_181 : memref<128x128xbf16, #tpu.memory_space<vmem>>)
      %run_scoped3A_188 = arith.constant 0 : i32
      "tpu.region"() ({
        %run_scoped3A_262 = tpu.sem_alloc : memref<!tpu.dma_semaphore, #tpu.memory_space<semaphore_mem>>
        %dma_start3A_263 = arith.constant 0 : i32
        %dma_start3A_264 = arith.constant 0 : i32
        %dma_start3A_265 = tpu.memref_slice %arg9[%run_scoped3A_188, %dma_start3A_263, %dma_start3A_264] : memref<4x128x128xbf16, #tpu.memory_space<vmem>> -> memref<1x128x128xbf16, #tpu.memory_space<vmem>>
        %dma_start3A_266 = tpu.memref_squeeze %dma_start3A_265 : memref<1x128x128xbf16, #tpu.memory_space<vmem>> -> memref<128x128xbf16, #tpu.memory_space<vmem>>
        %dma_start3A_267 = arith.constant 0 : i32
        %dma_start3A_268 = tpu.memref_slice %arg8[%add3A_177, %dma_start3A_267] : memref<80x128xi32, #tpu.memory_space<vmem>> -> memref<1x128xi32, #tpu.memory_space<vmem>>
        %dma_start3A_269 = tpu.memref_squeeze %dma_start3A_268 : memref<1x128xi32, #tpu.memory_space<vmem>> -> memref<128xi32, #tpu.memory_space<vmem>>
        %dma_start3A_270 = arith.constant 0 : i32
        %dma_start3A_271 = arith.constant 0 : i32
        %dma_start3A_272 = tpu.memref_slice %arg10[%dma_start3A_270, %dma_start3A_271] : memref<5248x128xbf16, #tpu.memory_space<vmem_shared>> -> memref<5248x128xbf16, #tpu.memory_space<vmem_shared>>
        tpu.enqueue_indirect_dma source(%dma_start3A_266 : memref<128x128xbf16, #tpu.memory_space<vmem>>) target(%dma_start3A_272 : memref<5248x128xbf16, #tpu.memory_space<vmem_shared>>) offsets(%dma_start3A_269 : memref<128xi32, #tpu.memory_space<vmem>>) semaphore(%run_scoped3A_262 : memref<!tpu.dma_semaphore, #tpu.memory_space<semaphore_mem>>) {add = true}
        %dma_wait3A_273 = arith.constant 0 : i32
        %dma_wait3A_274 = arith.constant 0 : i32
        %dma_wait3A_275 = tpu.memref_slice %arg9[%run_scoped3A_188, %dma_wait3A_273, %dma_wait3A_274] : memref<4x128x128xbf16, #tpu.memory_space<vmem>> -> memref<1x128x128xbf16, #tpu.memory_space<vmem>>
        %dma_wait3A_276 = tpu.memref_squeeze %dma_wait3A_275 : memref<1x128x128xbf16, #tpu.memory_space<vmem>> -> memref<128x128xbf16, #tpu.memory_space<vmem>>
        %dma_wait3A_277 = arith.constant 0 : i32
        %dma_wait3A_278 = tpu.memref_slice %arg8[%add3A_177, %dma_wait3A_277] : memref<80x128xi32, #tpu.memory_space<vmem>> -> memref<1x128xi32, #tpu.memory_space<vmem>>
        %dma_wait3A_279 = tpu.memref_squeeze %dma_wait3A_278 : memref<1x128xi32, #tpu.memory_space<vmem>> -> memref<128xi32, #tpu.memory_space<vmem>>
        %dma_wait3A_280 = arith.constant 0 : i32
        %dma_wait3A_281 = arith.constant 0 : i32
        %dma_wait3A_282 = tpu.memref_slice %arg10[%dma_wait3A_280, %dma_wait3A_281] : memref<5248x128xbf16, #tpu.memory_space<vmem_shared>> -> memref<5248x128xbf16, #tpu.memory_space<vmem_shared>>
        tpu.wait_indirect_dma semaphore(%run_scoped3A_262 : memref<!tpu.dma_semaphore, #tpu.memory_space<semaphore_mem>>) src(%dma_wait3A_276 : memref<128x128xbf16, #tpu.memory_space<vmem>>) dst(%dma_wait3A_282 : memref<5248x128xbf16, #tpu.memory_space<vmem_shared>>)
        tpu.yield
      }) : () -> ()
      %add3A_189 = arith.constant 4 : i32
      %add3A_190 = arith.addi %add3A_177, %add3A_189 : i32
      %lt3A = arith.constant 80 : i32
      %lt3A_191 = arith.cmpi slt, %add3A_190, %lt3A : i32
      %convert_element_type3A = arith.extui %lt3A_191 : i1 to i32
      %cond3A = arith.constant 0 : i32
      %cond3A_192 = arith.cmpi ne, %convert_element_type3A, %cond3A : i32
      scf.if %cond3A_192 {
        %dma_start3A_262 = arith.constant 0 : i32
        %dma_start3A_263 = arith.constant 0 : i32
        %dma_start3A_264 = arith.constant 0 : i32
        %dma_start3A_265 = tpu.memref_slice %arg9[%dma_start3A_262, %dma_start3A_263, %dma_start3A_264] : memref<4x128x128xbf16, #tpu.memory_space<vmem>> -> memref<1x128x128xbf16, #tpu.memory_space<vmem>>
        %dma_start3A_266 = tpu.memref_squeeze %dma_start3A_265 : memref<1x128x128xbf16, #tpu.memory_space<vmem>> -> memref<128x128xbf16, #tpu.memory_space<vmem>>
        %dma_start3A_267 = arith.constant 0 : i32
        %dma_start3A_268 = tpu.memref_slice %arg6[%add3A_190, %dma_start3A_267] : memref<80x128xi32, #tpu.memory_space<vmem>> -> memref<1x128xi32, #tpu.memory_space<vmem>>
        %dma_start3A_269 = tpu.memref_squeeze %dma_start3A_268 : memref<1x128xi32, #tpu.memory_space<vmem>> -> memref<128xi32, #tpu.memory_space<vmem>>
        %dma_start3A_270 = arith.constant 0 : i32
        %dma_start3A_271 = arith.constant 0 : i32
        %dma_start3A_272 = tpu.memref_slice %arg2[%dma_start3A_270, %dma_start3A_271] : memref<10240x128xbf16, #tpu.memory_space<hbm>> -> memref<10240x128xbf16, #tpu.memory_space<hbm>>
        tpu.enqueue_indirect_dma source(%dma_start3A_272 : memref<10240x128xbf16, #tpu.memory_space<hbm>>) target(%dma_start3A_266 : memref<128x128xbf16, #tpu.memory_space<vmem>>) offsets(%dma_start3A_269 : memref<128xi32, #tpu.memory_space<vmem>>) semaphore(%arg11 : memref<!tpu.dma_semaphore, #tpu.memory_space<semaphore_mem>>)
      } else {
      }
      %mul3A_193 = arith.constant 4 : i32
      %mul3A_194 = arith.muli %scan3A_173, %mul3A_193 : i32
      %add3A_195 = arith.constant 1 : i32
      %add3A_196 = arith.addi %mul3A_194, %add3A_195 : i32
      %dma_wait3A_197 = arith.constant 1 : i32
      %dma_wait3A_198 = arith.constant 0 : i32
      %dma_wait3A_199 = arith.constant 0 : i32
      %dma_wait3A_200 = tpu.memref_slice %arg9[%dma_wait3A_197, %dma_wait3A_198, %dma_wait3A_199] : memref<4x128x128xbf16, #tpu.memory_space<vmem>> -> memref<1x128x128xbf16, #tpu.memory_space<vmem>>
      %dma_wait3A_201 = tpu.memref_squeeze %dma_wait3A_200 : memref<1x128x128xbf16, #tpu.memory_space<vmem>> -> memref<128x128xbf16, #tpu.memory_space<vmem>>
      %dma_wait3A_202 = arith.constant 0 : i32
      %dma_wait3A_203 = tpu.memref_slice %arg6[%add3A_196, %dma_wait3A_202] : memref<80x128xi32, #tpu.memory_space<vmem>> -> memref<1x128xi32, #tpu.memory_space<vmem>>
      %dma_wait3A_204 = tpu.memref_squeeze %dma_wait3A_203 : memref<1x128xi32, #tpu.memory_space<vmem>> -> memref<128xi32, #tpu.memory_space<vmem>>
      %dma_wait3A_205 = arith.constant 0 : i32
      %dma_wait3A_206 = arith.constant 0 : i32
      %dma_wait3A_207 = tpu.memref_slice %arg2[%dma_wait3A_205, %dma_wait3A_206] : memref<10240x128xbf16, #tpu.memory_space<hbm>> -> memref<10240x128xbf16, #tpu.memory_space<hbm>>
      tpu.wait_indirect_dma semaphore(%arg12 : memref<!tpu.dma_semaphore, #tpu.memory_space<semaphore_mem>>) src(%dma_wait3A_207 : memref<10240x128xbf16, #tpu.memory_space<hbm>>) dst(%dma_wait3A_201 : memref<128x128xbf16, #tpu.memory_space<vmem>>)
      %run_scoped3A_208 = arith.constant 1 : i32
      "tpu.region"() ({
        %run_scoped3A_262 = tpu.sem_alloc : memref<!tpu.dma_semaphore, #tpu.memory_space<semaphore_mem>>
        %dma_start3A_263 = arith.constant 0 : i32
        %dma_start3A_264 = arith.constant 0 : i32
        %dma_start3A_265 = tpu.memref_slice %arg9[%run_scoped3A_208, %dma_start3A_263, %dma_start3A_264] : memref<4x128x128xbf16, #tpu.memory_space<vmem>> -> memref<1x128x128xbf16, #tpu.memory_space<vmem>>
        %dma_start3A_266 = tpu.memref_squeeze %dma_start3A_265 : memref<1x128x128xbf16, #tpu.memory_space<vmem>> -> memref<128x128xbf16, #tpu.memory_space<vmem>>
        %dma_start3A_267 = arith.constant 0 : i32
        %dma_start3A_268 = tpu.memref_slice %arg8[%add3A_196, %dma_start3A_267] : memref<80x128xi32, #tpu.memory_space<vmem>> -> memref<1x128xi32, #tpu.memory_space<vmem>>
        %dma_start3A_269 = tpu.memref_squeeze %dma_start3A_268 : memref<1x128xi32, #tpu.memory_space<vmem>> -> memref<128xi32, #tpu.memory_space<vmem>>
        %dma_start3A_270 = arith.constant 0 : i32
        %dma_start3A_271 = arith.constant 0 : i32
        %dma_start3A_272 = tpu.memref_slice %arg10[%dma_start3A_270, %dma_start3A_271] : memref<5248x128xbf16, #tpu.memory_space<vmem_shared>> -> memref<5248x128xbf16, #tpu.memory_space<vmem_shared>>
        tpu.enqueue_indirect_dma source(%dma_start3A_266 : memref<128x128xbf16, #tpu.memory_space<vmem>>) target(%dma_start3A_272 : memref<5248x128xbf16, #tpu.memory_space<vmem_shared>>) offsets(%dma_start3A_269 : memref<128xi32, #tpu.memory_space<vmem>>) semaphore(%run_scoped3A_262 : memref<!tpu.dma_semaphore, #tpu.memory_space<semaphore_mem>>) {add = true}
        %dma_wait3A_273 = arith.constant 0 : i32
        %dma_wait3A_274 = arith.constant 0 : i32
        %dma_wait3A_275 = tpu.memref_slice %arg9[%run_scoped3A_208, %dma_wait3A_273, %dma_wait3A_274] : memref<4x128x128xbf16, #tpu.memory_space<vmem>> -> memref<1x128x128xbf16, #tpu.memory_space<vmem>>
        %dma_wait3A_276 = tpu.memref_squeeze %dma_wait3A_275 : memref<1x128x128xbf16, #tpu.memory_space<vmem>> -> memref<128x128xbf16, #tpu.memory_space<vmem>>
        %dma_wait3A_277 = arith.constant 0 : i32
        %dma_wait3A_278 = tpu.memref_slice %arg8[%add3A_196, %dma_wait3A_277] : memref<80x128xi32, #tpu.memory_space<vmem>> -> memref<1x128xi32, #tpu.memory_space<vmem>>
        %dma_wait3A_279 = tpu.memref_squeeze %dma_wait3A_278 : memref<1x128xi32, #tpu.memory_space<vmem>> -> memref<128xi32, #tpu.memory_space<vmem>>
        %dma_wait3A_280 = arith.constant 0 : i32
        %dma_wait3A_281 = arith.constant 0 : i32
        %dma_wait3A_282 = tpu.memref_slice %arg10[%dma_wait3A_280, %dma_wait3A_281] : memref<5248x128xbf16, #tpu.memory_space<vmem_shared>> -> memref<5248x128xbf16, #tpu.memory_space<vmem_shared>>
        tpu.wait_indirect_dma semaphore(%run_scoped3A_262 : memref<!tpu.dma_semaphore, #tpu.memory_space<semaphore_mem>>) src(%dma_wait3A_276 : memref<128x128xbf16, #tpu.memory_space<vmem>>) dst(%dma_wait3A_282 : memref<5248x128xbf16, #tpu.memory_space<vmem_shared>>)
        tpu.yield
      }) : () -> ()
      %add3A_209 = arith.constant 4 : i32
      %add3A_210 = arith.addi %add3A_196, %add3A_209 : i32
      %lt3A_211 = arith.constant 80 : i32
      %lt3A_212 = arith.cmpi slt, %add3A_210, %lt3A_211 : i32
      %convert_element_type3A_213 = arith.extui %lt3A_212 : i1 to i32
      %cond3A_214 = arith.constant 0 : i32
      %cond3A_215 = arith.cmpi ne, %convert_element_type3A_213, %cond3A_214 : i32
      scf.if %cond3A_215 {
        %dma_start3A_262 = arith.constant 1 : i32
        %dma_start3A_263 = arith.constant 0 : i32
        %dma_start3A_264 = arith.constant 0 : i32
        %dma_start3A_265 = tpu.memref_slice %arg9[%dma_start3A_262, %dma_start3A_263, %dma_start3A_264] : memref<4x128x128xbf16, #tpu.memory_space<vmem>> -> memref<1x128x128xbf16, #tpu.memory_space<vmem>>
        %dma_start3A_266 = tpu.memref_squeeze %dma_start3A_265 : memref<1x128x128xbf16, #tpu.memory_space<vmem>> -> memref<128x128xbf16, #tpu.memory_space<vmem>>
        %dma_start3A_267 = arith.constant 0 : i32
        %dma_start3A_268 = tpu.memref_slice %arg6[%add3A_210, %dma_start3A_267] : memref<80x128xi32, #tpu.memory_space<vmem>> -> memref<1x128xi32, #tpu.memory_space<vmem>>
        %dma_start3A_269 = tpu.memref_squeeze %dma_start3A_268 : memref<1x128xi32, #tpu.memory_space<vmem>> -> memref<128xi32, #tpu.memory_space<vmem>>
        %dma_start3A_270 = arith.constant 0 : i32
        %dma_start3A_271 = arith.constant 0 : i32
        %dma_start3A_272 = tpu.memref_slice %arg2[%dma_start3A_270, %dma_start3A_271] : memref<10240x128xbf16, #tpu.memory_space<hbm>> -> memref<10240x128xbf16, #tpu.memory_space<hbm>>
        tpu.enqueue_indirect_dma source(%dma_start3A_272 : memref<10240x128xbf16, #tpu.memory_space<hbm>>) target(%dma_start3A_266 : memref<128x128xbf16, #tpu.memory_space<vmem>>) offsets(%dma_start3A_269 : memref<128xi32, #tpu.memory_space<vmem>>) semaphore(%arg12 : memref<!tpu.dma_semaphore, #tpu.memory_space<semaphore_mem>>)
      } else {
      }
      %mul3A_216 = arith.constant 4 : i32
      %mul3A_217 = arith.muli %scan3A_173, %mul3A_216 : i32
      %add3A_218 = arith.constant 2 : i32
      %add3A_219 = arith.addi %mul3A_217, %add3A_218 : i32
      %dma_wait3A_220 = arith.constant 2 : i32
      %dma_wait3A_221 = arith.constant 0 : i32
      %dma_wait3A_222 = arith.constant 0 : i32
      %dma_wait3A_223 = tpu.memref_slice %arg9[%dma_wait3A_220, %dma_wait3A_221, %dma_wait3A_222] : memref<4x128x128xbf16, #tpu.memory_space<vmem>> -> memref<1x128x128xbf16, #tpu.memory_space<vmem>>
      %dma_wait3A_224 = tpu.memref_squeeze %dma_wait3A_223 : memref<1x128x128xbf16, #tpu.memory_space<vmem>> -> memref<128x128xbf16, #tpu.memory_space<vmem>>
      %dma_wait3A_225 = arith.constant 0 : i32
      %dma_wait3A_226 = tpu.memref_slice %arg6[%add3A_219, %dma_wait3A_225] : memref<80x128xi32, #tpu.memory_space<vmem>> -> memref<1x128xi32, #tpu.memory_space<vmem>>
      %dma_wait3A_227 = tpu.memref_squeeze %dma_wait3A_226 : memref<1x128xi32, #tpu.memory_space<vmem>> -> memref<128xi32, #tpu.memory_space<vmem>>
      %dma_wait3A_228 = arith.constant 0 : i32
      %dma_wait3A_229 = arith.constant 0 : i32
      %dma_wait3A_230 = tpu.memref_slice %arg2[%dma_wait3A_228, %dma_wait3A_229] : memref<10240x128xbf16, #tpu.memory_space<hbm>> -> memref<10240x128xbf16, #tpu.memory_space<hbm>>
      tpu.wait_indirect_dma semaphore(%arg13 : memref<!tpu.dma_semaphore, #tpu.memory_space<semaphore_mem>>) src(%dma_wait3A_230 : memref<10240x128xbf16, #tpu.memory_space<hbm>>) dst(%dma_wait3A_224 : memref<128x128xbf16, #tpu.memory_space<vmem>>)
      %run_scoped3A_231 = arith.constant 2 : i32
      "tpu.region"() ({
        %run_scoped3A_262 = tpu.sem_alloc : memref<!tpu.dma_semaphore, #tpu.memory_space<semaphore_mem>>
        %dma_start3A_263 = arith.constant 0 : i32
        %dma_start3A_264 = arith.constant 0 : i32
        %dma_start3A_265 = tpu.memref_slice %arg9[%run_scoped3A_231, %dma_start3A_263, %dma_start3A_264] : memref<4x128x128xbf16, #tpu.memory_space<vmem>> -> memref<1x128x128xbf16, #tpu.memory_space<vmem>>
        %dma_start3A_266 = tpu.memref_squeeze %dma_start3A_265 : memref<1x128x128xbf16, #tpu.memory_space<vmem>> -> memref<128x128xbf16, #tpu.memory_space<vmem>>
        %dma_start3A_267 = arith.constant 0 : i32
        %dma_start3A_268 = tpu.memref_slice %arg8[%add3A_219, %dma_start3A_267] : memref<80x128xi32, #tpu.memory_space<vmem>> -> memref<1x128xi32, #tpu.memory_space<vmem>>
        %dma_start3A_269 = tpu.memref_squeeze %dma_start3A_268 : memref<1x128xi32, #tpu.memory_space<vmem>> -> memref<128xi32, #tpu.memory_space<vmem>>
        %dma_start3A_270 = arith.constant 0 : i32
        %dma_start3A_271 = arith.constant 0 : i32
        %dma_start3A_272 = tpu.memref_slice %arg10[%dma_start3A_270, %dma_start3A_271] : memref<5248x128xbf16, #tpu.memory_space<vmem_shared>> -> memref<5248x128xbf16, #tpu.memory_space<vmem_shared>>
        tpu.enqueue_indirect_dma source(%dma_start3A_266 : memref<128x128xbf16, #tpu.memory_space<vmem>>) target(%dma_start3A_272 : memref<5248x128xbf16, #tpu.memory_space<vmem_shared>>) offsets(%dma_start3A_269 : memref<128xi32, #tpu.memory_space<vmem>>) semaphore(%run_scoped3A_262 : memref<!tpu.dma_semaphore, #tpu.memory_space<semaphore_mem>>) {add = true}
        %dma_wait3A_273 = arith.constant 0 : i32
        %dma_wait3A_274 = arith.constant 0 : i32
        %dma_wait3A_275 = tpu.memref_slice %arg9[%run_scoped3A_231, %dma_wait3A_273, %dma_wait3A_274] : memref<4x128x128xbf16, #tpu.memory_space<vmem>> -> memref<1x128x128xbf16, #tpu.memory_space<vmem>>
        %dma_wait3A_276 = tpu.memref_squeeze %dma_wait3A_275 : memref<1x128x128xbf16, #tpu.memory_space<vmem>> -> memref<128x128xbf16, #tpu.memory_space<vmem>>
        %dma_wait3A_277 = arith.constant 0 : i32
        %dma_wait3A_278 = tpu.memref_slice %arg8[%add3A_219, %dma_wait3A_277] : memref<80x128xi32, #tpu.memory_space<vmem>> -> memref<1x128xi32, #tpu.memory_space<vmem>>
        %dma_wait3A_279 = tpu.memref_squeeze %dma_wait3A_278 : memref<1x128xi32, #tpu.memory_space<vmem>> -> memref<128xi32, #tpu.memory_space<vmem>>
        %dma_wait3A_280 = arith.constant 0 : i32
        %dma_wait3A_281 = arith.constant 0 : i32
        %dma_wait3A_282 = tpu.memref_slice %arg10[%dma_wait3A_280, %dma_wait3A_281] : memref<5248x128xbf16, #tpu.memory_space<vmem_shared>> -> memref<5248x128xbf16, #tpu.memory_space<vmem_shared>>
        tpu.wait_indirect_dma semaphore(%run_scoped3A_262 : memref<!tpu.dma_semaphore, #tpu.memory_space<semaphore_mem>>) src(%dma_wait3A_276 : memref<128x128xbf16, #tpu.memory_space<vmem>>) dst(%dma_wait3A_282 : memref<5248x128xbf16, #tpu.memory_space<vmem_shared>>)
        tpu.yield
      }) : () -> ()
      %add3A_232 = arith.constant 4 : i32
      %add3A_233 = arith.addi %add3A_219, %add3A_232 : i32
      %lt3A_234 = arith.constant 80 : i32
      %lt3A_235 = arith.cmpi slt, %add3A_233, %lt3A_234 : i32
      %convert_element_type3A_236 = arith.extui %lt3A_235 : i1 to i32
      %cond3A_237 = arith.constant 0 : i32
      %cond3A_238 = arith.cmpi ne, %convert_element_type3A_236, %cond3A_237 : i32
      scf.if %cond3A_238 {
        %dma_start3A_262 = arith.constant 2 : i32
        %dma_start3A_263 = arith.constant 0 : i32
        %dma_start3A_264 = arith.constant 0 : i32
        %dma_start3A_265 = tpu.memref_slice %arg9[%dma_start3A_262, %dma_start3A_263, %dma_start3A_264] : memref<4x128x128xbf16, #tpu.memory_space<vmem>> -> memref<1x128x128xbf16, #tpu.memory_space<vmem>>
        %dma_start3A_266 = tpu.memref_squeeze %dma_start3A_265 : memref<1x128x128xbf16, #tpu.memory_space<vmem>> -> memref<128x128xbf16, #tpu.memory_space<vmem>>
        %dma_start3A_267 = arith.constant 0 : i32
        %dma_start3A_268 = tpu.memref_slice %arg6[%add3A_233, %dma_start3A_267] : memref<80x128xi32, #tpu.memory_space<vmem>> -> memref<1x128xi32, #tpu.memory_space<vmem>>
        %dma_start3A_269 = tpu.memref_squeeze %dma_start3A_268 : memref<1x128xi32, #tpu.memory_space<vmem>> -> memref<128xi32, #tpu.memory_space<vmem>>
        %dma_start3A_270 = arith.constant 0 : i32
        %dma_start3A_271 = arith.constant 0 : i32
        %dma_start3A_272 = tpu.memref_slice %arg2[%dma_start3A_270, %dma_start3A_271] : memref<10240x128xbf16, #tpu.memory_space<hbm>> -> memref<10240x128xbf16, #tpu.memory_space<hbm>>
        tpu.enqueue_indirect_dma source(%dma_start3A_272 : memref<10240x128xbf16, #tpu.memory_space<hbm>>) target(%dma_start3A_266 : memref<128x128xbf16, #tpu.memory_space<vmem>>) offsets(%dma_start3A_269 : memref<128xi32, #tpu.memory_space<vmem>>) semaphore(%arg13 : memref<!tpu.dma_semaphore, #tpu.memory_space<semaphore_mem>>)
      } else {
      }
      %mul3A_239 = arith.constant 4 : i32
      %mul3A_240 = arith.muli %scan3A_173, %mul3A_239 : i32
      %add3A_241 = arith.constant 3 : i32
      %add3A_242 = arith.addi %mul3A_240, %add3A_241 : i32
      %dma_wait3A_243 = arith.constant 3 : i32
      %dma_wait3A_244 = arith.constant 0 : i32
      %dma_wait3A_245 = arith.constant 0 : i32
      %dma_wait3A_246 = tpu.memref_slice %arg9[%dma_wait3A_243, %dma_wait3A_244, %dma_wait3A_245] : memref<4x128x128xbf16, #tpu.memory_space<vmem>> -> memref<1x128x128xbf16, #tpu.memory_space<vmem>>
      %dma_wait3A_247 = tpu.memref_squeeze %dma_wait3A_246 : memref<1x128x128xbf16, #tpu.memory_space<vmem>> -> memref<128x128xbf16, #tpu.memory_space<vmem>>
      %dma_wait3A_248 = arith.constant 0 : i32
      %dma_wait3A_249 = tpu.memref_slice %arg6[%add3A_242, %dma_wait3A_248] : memref<80x128xi32, #tpu.memory_space<vmem>> -> memref<1x128xi32, #tpu.memory_space<vmem>>
      %dma_wait3A_250 = tpu.memref_squeeze %dma_wait3A_249 : memref<1x128xi32, #tpu.memory_space<vmem>> -> memref<128xi32, #tpu.memory_space<vmem>>
      %dma_wait3A_251 = arith.constant 0 : i32
      %dma_wait3A_252 = arith.constant 0 : i32
      %dma_wait3A_253 = tpu.memref_slice %arg2[%dma_wait3A_251, %dma_wait3A_252] : memref<10240x128xbf16, #tpu.memory_space<hbm>> -> memref<10240x128xbf16, #tpu.memory_space<hbm>>
      tpu.wait_indirect_dma semaphore(%arg14 : memref<!tpu.dma_semaphore, #tpu.memory_space<semaphore_mem>>) src(%dma_wait3A_253 : memref<10240x128xbf16, #tpu.memory_space<hbm>>) dst(%dma_wait3A_247 : memref<128x128xbf16, #tpu.memory_space<vmem>>)
      %run_scoped3A_254 = arith.constant 3 : i32
      "tpu.region"() ({
        %run_scoped3A_262 = tpu.sem_alloc : memref<!tpu.dma_semaphore, #tpu.memory_space<semaphore_mem>>
        %dma_start3A_263 = arith.constant 0 : i32
        %dma_start3A_264 = arith.constant 0 : i32
        %dma_start3A_265 = tpu.memref_slice %arg9[%run_scoped3A_254, %dma_start3A_263, %dma_start3A_264] : memref<4x128x128xbf16, #tpu.memory_space<vmem>> -> memref<1x128x128xbf16, #tpu.memory_space<vmem>>
        %dma_start3A_266 = tpu.memref_squeeze %dma_start3A_265 : memref<1x128x128xbf16, #tpu.memory_space<vmem>> -> memref<128x128xbf16, #tpu.memory_space<vmem>>
        %dma_start3A_267 = arith.constant 0 : i32
        %dma_start3A_268 = tpu.memref_slice %arg8[%add3A_242, %dma_start3A_267] : memref<80x128xi32, #tpu.memory_space<vmem>> -> memref<1x128xi32, #tpu.memory_space<vmem>>
        %dma_start3A_269 = tpu.memref_squeeze %dma_start3A_268 : memref<1x128xi32, #tpu.memory_space<vmem>> -> memref<128xi32, #tpu.memory_space<vmem>>
        %dma_start3A_270 = arith.constant 0 : i32
        %dma_start3A_271 = arith.constant 0 : i32
        %dma_start3A_272 = tpu.memref_slice %arg10[%dma_start3A_270, %dma_start3A_271] : memref<5248x128xbf16, #tpu.memory_space<vmem_shared>> -> memref<5248x128xbf16, #tpu.memory_space<vmem_shared>>
        tpu.enqueue_indirect_dma source(%dma_start3A_266 : memref<128x128xbf16, #tpu.memory_space<vmem>>) target(%dma_start3A_272 : memref<5248x128xbf16, #tpu.memory_space<vmem_shared>>) offsets(%dma_start3A_269 : memref<128xi32, #tpu.memory_space<vmem>>) semaphore(%run_scoped3A_262 : memref<!tpu.dma_semaphore, #tpu.memory_space<semaphore_mem>>) {add = true}
        %dma_wait3A_273 = arith.constant 0 : i32
        %dma_wait3A_274 = arith.constant 0 : i32
        %dma_wait3A_275 = tpu.memref_slice %arg9[%run_scoped3A_254, %dma_wait3A_273, %dma_wait3A_274] : memref<4x128x128xbf16, #tpu.memory_space<vmem>> -> memref<1x128x128xbf16, #tpu.memory_space<vmem>>
        %dma_wait3A_276 = tpu.memref_squeeze %dma_wait3A_275 : memref<1x128x128xbf16, #tpu.memory_space<vmem>> -> memref<128x128xbf16, #tpu.memory_space<vmem>>
        %dma_wait3A_277 = arith.constant 0 : i32
        %dma_wait3A_278 = tpu.memref_slice %arg8[%add3A_242, %dma_wait3A_277] : memref<80x128xi32, #tpu.memory_space<vmem>> -> memref<1x128xi32, #tpu.memory_space<vmem>>
        %dma_wait3A_279 = tpu.memref_squeeze %dma_wait3A_278 : memref<1x128xi32, #tpu.memory_space<vmem>> -> memref<128xi32, #tpu.memory_space<vmem>>
        %dma_wait3A_280 = arith.constant 0 : i32
        %dma_wait3A_281 = arith.constant 0 : i32
        %dma_wait3A_282 = tpu.memref_slice %arg10[%dma_wait3A_280, %dma_wait3A_281] : memref<5248x128xbf16, #tpu.memory_space<vmem_shared>> -> memref<5248x128xbf16, #tpu.memory_space<vmem_shared>>
        tpu.wait_indirect_dma semaphore(%run_scoped3A_262 : memref<!tpu.dma_semaphore, #tpu.memory_space<semaphore_mem>>) src(%dma_wait3A_276 : memref<128x128xbf16, #tpu.memory_space<vmem>>) dst(%dma_wait3A_282 : memref<5248x128xbf16, #tpu.memory_space<vmem_shared>>)
        tpu.yield
      }) : () -> ()
      %add3A_255 = arith.constant 4 : i32
      %add3A_256 = arith.addi %add3A_242, %add3A_255 : i32
      %lt3A_257 = arith.constant 80 : i32
      %lt3A_258 = arith.cmpi slt, %add3A_256, %lt3A_257 : i32
      %convert_element_type3A_259 = arith.extui %lt3A_258 : i1 to i32
      %cond3A_260 = arith.constant 0 : i32
      %cond3A_261 = arith.cmpi ne, %convert_element_type3A_259, %cond3A_260 : i32
      scf.if %cond3A_261 {
        %dma_start3A_262 = arith.constant 3 : i32
        %dma_start3A_263 = arith.constant 0 : i32
        %dma_start3A_264 = arith.constant 0 : i32
        %dma_start3A_265 = tpu.memref_slice %arg9[%dma_start3A_262, %dma_start3A_263, %dma_start3A_264] : memref<4x128x128xbf16, #tpu.memory_space<vmem>> -> memref<1x128x128xbf16, #tpu.memory_space<vmem>>
        %dma_start3A_266 = tpu.memref_squeeze %dma_start3A_265 : memref<1x128x128xbf16, #tpu.memory_space<vmem>> -> memref<128x128xbf16, #tpu.memory_space<vmem>>
        %dma_start3A_267 = arith.constant 0 : i32
        %dma_start3A_268 = tpu.memref_slice %arg6[%add3A_256, %dma_start3A_267] : memref<80x128xi32, #tpu.memory_space<vmem>> -> memref<1x128xi32, #tpu.memory_space<vmem>>
        %dma_start3A_269 = tpu.memref_squeeze %dma_start3A_268 : memref<1x128xi32, #tpu.memory_space<vmem>> -> memref<128xi32, #tpu.memory_space<vmem>>
        %dma_start3A_270 = arith.constant 0 : i32
        %dma_start3A_271 = arith.constant 0 : i32
        %dma_start3A_272 = tpu.memref_slice %arg2[%dma_start3A_270, %dma_start3A_271] : memref<10240x128xbf16, #tpu.memory_space<hbm>> -> memref<10240x128xbf16, #tpu.memory_space<hbm>>
        tpu.enqueue_indirect_dma source(%dma_start3A_272 : memref<10240x128xbf16, #tpu.memory_space<hbm>>) target(%dma_start3A_266 : memref<128x128xbf16, #tpu.memory_space<vmem>>) offsets(%dma_start3A_269 : memref<128xi32, #tpu.memory_space<vmem>>) semaphore(%arg14 : memref<!tpu.dma_semaphore, #tpu.memory_space<semaphore_mem>>)
      } else {
      }
    }
    %scan3A_76 = arith.constant 20 : i32
    %barrier3A_77 = arith.constant 0 : index
    tpu.barrier barrier_id(%barrier3A_77)
    %add3A_78 = arith.constant 0 : i32
    %add3A_79 = arith.addi %mul3A_0, %add3A_78 : i32
    %run_scoped3A_80 = arith.constant 0 : i32
    "tpu.region"() ({
      %run_scoped3A_173 = tpu.sem_alloc : memref<!tpu.dma_semaphore, #tpu.memory_space<semaphore_mem>>
      %dma_start3A_174 = arith.constant 0 : i32
      %dma_start3A_175 = tpu.memref_slice %arg5[%arg0, %run_scoped3A_80, %add3A_79, %dma_start3A_174] : memref<2x2x5248x128xbf16, #tpu.memory_space<hbm>> -> memref<1x1x128x128xbf16, #tpu.memory_space<hbm>>
      %dma_start3A_176 = tpu.memref_squeeze %dma_start3A_175 : memref<1x1x128x128xbf16, #tpu.memory_space<hbm>> -> memref<128x128xbf16, #tpu.memory_space<hbm>>
      %dma_start3A_177 = arith.constant 0 : i32
      %dma_start3A_178 = tpu.memref_slice %arg10[%add3A_79, %dma_start3A_177] : memref<5248x128xbf16, #tpu.memory_space<vmem_shared>> -> memref<128x128xbf16, #tpu.memory_space<vmem_shared>>
      tpu.enqueue_dma source(%dma_start3A_178 : memref<128x128xbf16, #tpu.memory_space<vmem_shared>>) target(%dma_start3A_176 : memref<128x128xbf16, #tpu.memory_space<hbm>>) target_semaphore(%run_scoped3A_173 : memref<!tpu.dma_semaphore, #tpu.memory_space<semaphore_mem>>)
      %dma_wait3A = arith.constant 0 : i32
      %dma_wait3A_179 = tpu.memref_slice %arg5[%arg0, %run_scoped3A_80, %add3A_79, %dma_wait3A] : memref<2x2x5248x128xbf16, #tpu.memory_space<hbm>> -> memref<1x1x128x128xbf16, #tpu.memory_space<hbm>>
      %dma_wait3A_180 = tpu.memref_squeeze %dma_wait3A_179 : memref<1x1x128x128xbf16, #tpu.memory_space<hbm>> -> memref<128x128xbf16, #tpu.memory_space<hbm>>
      %dma_wait3A_181 = arith.constant 0 : i32
      %dma_wait3A_182 = tpu.memref_slice %arg10[%add3A_79, %dma_wait3A_181] : memref<5248x128xbf16, #tpu.memory_space<vmem_shared>> -> memref<128x128xbf16, #tpu.memory_space<vmem_shared>>
      tpu.wait_dma2 semaphore(%run_scoped3A_173 : memref<!tpu.dma_semaphore, #tpu.memory_space<semaphore_mem>>) src(%dma_wait3A_182 : memref<128x128xbf16, #tpu.memory_space<vmem_shared>>) dst(%dma_wait3A_180 : memref<128x128xbf16, #tpu.memory_space<hbm>>)
      tpu.yield
    }) : () -> ()
    %add3A_81 = arith.constant 128 : i32
    %add3A_82 = arith.addi %mul3A_0, %add3A_81 : i32
    %run_scoped3A_83 = arith.constant 0 : i32
    "tpu.region"() ({
      %run_scoped3A_173 = tpu.sem_alloc : memref<!tpu.dma_semaphore, #tpu.memory_space<semaphore_mem>>
      %dma_start3A_174 = arith.constant 0 : i32
      %dma_start3A_175 = tpu.memref_slice %arg5[%arg0, %run_scoped3A_83, %add3A_82, %dma_start3A_174] : memref<2x2x5248x128xbf16, #tpu.memory_space<hbm>> -> memref<1x1x128x128xbf16, #tpu.memory_space<hbm>>
      %dma_start3A_176 = tpu.memref_squeeze %dma_start3A_175 : memref<1x1x128x128xbf16, #tpu.memory_space<hbm>> -> memref<128x128xbf16, #tpu.memory_space<hbm>>
      %dma_start3A_177 = arith.constant 0 : i32
      %dma_start3A_178 = tpu.memref_slice %arg10[%add3A_82, %dma_start3A_177] : memref<5248x128xbf16, #tpu.memory_space<vmem_shared>> -> memref<128x128xbf16, #tpu.memory_space<vmem_shared>>
      tpu.enqueue_dma source(%dma_start3A_178 : memref<128x128xbf16, #tpu.memory_space<vmem_shared>>) target(%dma_start3A_176 : memref<128x128xbf16, #tpu.memory_space<hbm>>) target_semaphore(%run_scoped3A_173 : memref<!tpu.dma_semaphore, #tpu.memory_space<semaphore_mem>>)
      %dma_wait3A = arith.constant 0 : i32
      %dma_wait3A_179 = tpu.memref_slice %arg5[%arg0, %run_scoped3A_83, %add3A_82, %dma_wait3A] : memref<2x2x5248x128xbf16, #tpu.memory_space<hbm>> -> memref<1x1x128x128xbf16, #tpu.memory_space<hbm>>
      %dma_wait3A_180 = tpu.memref_squeeze %dma_wait3A_179 : memref<1x1x128x128xbf16, #tpu.memory_space<hbm>> -> memref<128x128xbf16, #tpu.memory_space<hbm>>
      %dma_wait3A_181 = arith.constant 0 : i32
      %dma_wait3A_182 = tpu.memref_slice %arg10[%add3A_82, %dma_wait3A_181] : memref<5248x128xbf16, #tpu.memory_space<vmem_shared>> -> memref<128x128xbf16, #tpu.memory_space<vmem_shared>>
      tpu.wait_dma2 semaphore(%run_scoped3A_173 : memref<!tpu.dma_semaphore, #tpu.memory_space<semaphore_mem>>) src(%dma_wait3A_182 : memref<128x128xbf16, #tpu.memory_space<vmem_shared>>) dst(%dma_wait3A_180 : memref<128x128xbf16, #tpu.memory_space<hbm>>)
      tpu.yield
    }) : () -> ()
    %add3A_84 = arith.constant 256 : i32
    %add3A_85 = arith.addi %mul3A_0, %add3A_84 : i32
    %run_scoped3A_86 = arith.constant 0 : i32
    "tpu.region"() ({
      %run_scoped3A_173 = tpu.sem_alloc : memref<!tpu.dma_semaphore, #tpu.memory_space<semaphore_mem>>
      %dma_start3A_174 = arith.constant 0 : i32
      %dma_start3A_175 = tpu.memref_slice %arg5[%arg0, %run_scoped3A_86, %add3A_85, %dma_start3A_174] : memref<2x2x5248x128xbf16, #tpu.memory_space<hbm>> -> memref<1x1x72x128xbf16, #tpu.memory_space<hbm>>
      %dma_start3A_176 = tpu.memref_squeeze %dma_start3A_175 : memref<1x1x72x128xbf16, #tpu.memory_space<hbm>> -> memref<72x128xbf16, #tpu.memory_space<hbm>>
      %dma_start3A_177 = arith.constant 0 : i32
      %dma_start3A_178 = tpu.memref_slice %arg10[%add3A_85, %dma_start3A_177] : memref<5248x128xbf16, #tpu.memory_space<vmem_shared>> -> memref<72x128xbf16, #tpu.memory_space<vmem_shared>>
      tpu.enqueue_dma source(%dma_start3A_178 : memref<72x128xbf16, #tpu.memory_space<vmem_shared>>) target(%dma_start3A_176 : memref<72x128xbf16, #tpu.memory_space<hbm>>) target_semaphore(%run_scoped3A_173 : memref<!tpu.dma_semaphore, #tpu.memory_space<semaphore_mem>>)
      %dma_wait3A = arith.constant 0 : i32
      %dma_wait3A_179 = tpu.memref_slice %arg5[%arg0, %run_scoped3A_86, %add3A_85, %dma_wait3A] : memref<2x2x5248x128xbf16, #tpu.memory_space<hbm>> -> memref<1x1x72x128xbf16, #tpu.memory_space<hbm>>
      %dma_wait3A_180 = tpu.memref_squeeze %dma_wait3A_179 : memref<1x1x72x128xbf16, #tpu.memory_space<hbm>> -> memref<72x128xbf16, #tpu.memory_space<hbm>>
      %dma_wait3A_181 = arith.constant 0 : i32
      %dma_wait3A_182 = tpu.memref_slice %arg10[%add3A_85, %dma_wait3A_181] : memref<5248x128xbf16, #tpu.memory_space<vmem_shared>> -> memref<72x128xbf16, #tpu.memory_space<vmem_shared>>
      tpu.wait_dma2 semaphore(%run_scoped3A_173 : memref<!tpu.dma_semaphore, #tpu.memory_space<semaphore_mem>>) src(%dma_wait3A_182 : memref<72x128xbf16, #tpu.memory_space<vmem_shared>>) dst(%dma_wait3A_180 : memref<72x128xbf16, #tpu.memory_space<hbm>>)
      tpu.yield
    }) : () -> ()
    %scan3A_87 = arith.constant 0 : i32
    %scan3A_88 = arith.constant 0 : i32
    %scan3A_89 = arith.constant 640 : i32
    %scan3A_90 = arith.addi %scan3A_88, %scan3A_89 : i32
    %scan3A_91 = arith.constant 1 : i32
    scf.for %scan3A_173 = %scan3A_88 to %scan3A_90 step %scan3A_91  : i32 {
      %jit3A = arith.constant 8 : i32
      %div3A = arith.divsi %scan3A_173, %jit3A : i32
      %sign3A = arith.constant 0 : i32
      %sign3A_174 = arith.cmpi sgt, %scan3A_173, %sign3A : i32
      %sign3A_175 = arith.extui %sign3A_174 : i1 to i32
      %sign3A_176 = arith.constant 0 : i32
      %sign3A_177 = arith.cmpi slt, %scan3A_173, %sign3A_176 : i32
      %sign3A_178 = arith.extui %sign3A_177 : i1 to i32
      %sign3A_179 = arith.subi %sign3A_175, %sign3A_178 : i32
      %sign3A_180 = arith.constant 0 : i32
      %sign3A_181 = arith.cmpi sgt, %jit3A, %sign3A_180 : i32
      %sign3A_182 = arith.extui %sign3A_181 : i1 to i32
      %sign3A_183 = arith.constant 0 : i32
      %sign3A_184 = arith.cmpi slt, %jit3A, %sign3A_183 : i32
      %sign3A_185 = arith.extui %sign3A_184 : i1 to i32
      %sign3A_186 = arith.subi %sign3A_182, %sign3A_185 : i32
      %ne3A = arith.cmpi ne, %sign3A_179, %sign3A_186 : i32
      %rem3A = arith.remsi %scan3A_173, %jit3A : i32
      %ne3A_187 = arith.constant 0 : i32
      %ne3A_188 = arith.cmpi ne, %rem3A, %ne3A_187 : i32
      %and3A = arith.andi %ne3A, %ne3A_188 : i1
      %sub3A = arith.constant 1 : i32
      %sub3A_189 = arith.subi %div3A, %sub3A : i32
      %select_n3A = arith.select %and3A, %sub3A_189, %div3A : i32
      %jit3A_190 = arith.constant 8 : i32
      %eq3A = arith.constant 0 : i32
      %eq3A_191 = arith.cmpi eq, %jit3A_190, %eq3A : i32
      %jit3A_192 = arith.constant 1 : i32
      %select_n3A_193 = arith.select %eq3A_191, %jit3A_192, %jit3A_190 : i32
      %rem3A_194 = arith.remsi %scan3A_173, %select_n3A_193 : i32
      %ne3A_195 = arith.constant 0 : i32
      %ne3A_196 = arith.cmpi ne, %rem3A_194, %ne3A_195 : i32
      %lt3A = arith.constant 0 : i32
      %lt3A_197 = arith.cmpi slt, %rem3A_194, %lt3A : i32
      %lt3A_198 = arith.constant 0 : i32
      %lt3A_199 = arith.cmpi slt, %select_n3A_193, %lt3A_198 : i32
      %ne3A_200 = arith.xori %lt3A_197, %lt3A_199 : i1
      %and3A_201 = arith.andi %ne3A_200, %ne3A_196 : i1
      %add3A_202 = arith.addi %rem3A_194, %select_n3A_193 : i32
      %select_n3A_203 = arith.select %and3A_201, %add3A_202, %rem3A_194 : i32
      %mul3A_204 = arith.constant 16 : i32
      %mul3A_205 = arith.muli %select_n3A_203, %mul3A_204 : i32
      %get3A = arith.index_cast %select_n3A : i32 to index
      %get3A_206 = arith.index_cast %mul3A_205 : i32 to index
      %get3A_207 = tpu.vector_load %arg7[%get3A, %get3A_206] {strides = array<i32>} : memref<80x128xi32, #tpu.memory_space<vmem>>, vector<1x16xi32>,
      %get3A_208 = vector.shape_cast %get3A_207 : vector<1x16xi32> to vector<16xi32>
      %sub3A_209 = arith.constant 5120 : i32
      %sub3A_210 = vector.broadcast %sub3A_209 : i32 to vector<16xi32>
      %sub3A_211 = arith.subi %get3A_208, %sub3A_210 : vector<16xi32>
      %ge3A = arith.constant 0 : i32
      %ge3A_212 = vector.broadcast %ge3A : i32 to vector<16xi32>
      %ge3A_213 = arith.cmpi sge, %sub3A_211, %ge3A_212 : vector<16xi32>
      %lt3A_214 = arith.constant 5120 : i32
      %lt3A_215 = vector.broadcast %lt3A_214 : i32 to vector<16xi32>
      %lt3A_216 = arith.cmpi slt, %sub3A_211, %lt3A_215 : vector<16xi32>
      %and3A_217 = arith.andi %ge3A_213, %lt3A_216 : vector<16xi1>
      %jit3A_218 = arith.constant 128 : i32
      %eq3A_219 = arith.constant 0 : i32
      %eq3A_220 = arith.cmpi eq, %jit3A_218, %eq3A_219 : i32
      %jit3A_221 = arith.constant 1 : i32
      %select_n3A_222 = arith.select %eq3A_220, %jit3A_221, %jit3A_218 : i32
      %rem3A_223 = arith.remsi %scan3A_173, %select_n3A_222 : i32
      %ne3A_224 = arith.constant 0 : i32
      %ne3A_225 = arith.cmpi ne, %rem3A_223, %ne3A_224 : i32
      %lt3A_226 = arith.constant 0 : i32
      %lt3A_227 = arith.cmpi slt, %rem3A_223, %lt3A_226 : i32
      %lt3A_228 = arith.constant 0 : i32
      %lt3A_229 = arith.cmpi slt, %select_n3A_222, %lt3A_228 : i32
      %ne3A_230 = arith.xori %lt3A_227, %lt3A_229 : i1
      %and3A_231 = arith.andi %ne3A_230, %ne3A_225 : i1
      %add3A_232 = arith.addi %rem3A_223, %select_n3A_222 : i32
      %select_n3A_233 = arith.select %and3A_231, %add3A_232, %rem3A_223 : i32
      %add3A_234 = arith.constant 5120 : i32
      %add3A_235 = arith.addi %add3A_234, %select_n3A_233 : i32
      %broadcast_in_dim3A = vector.broadcast %add3A_235 : i32 to vector<16xi32>
      %select_n3A_236 = arith.select %and3A_217, %sub3A_211, %broadcast_in_dim3A : vector<16xi1>, vector<16xi32>
      %mul3A_237 = arith.constant 16 : i32
      %mul3A_238 = arith.muli %select_n3A_203, %mul3A_237 : i32
      %swap3A = arith.index_cast %select_n3A : i32 to index
      %swap3A_239 = arith.index_cast %mul3A_238 : i32 to index
      %swap3A_240 = tpu.vector_load %arg8[%swap3A, %swap3A_239] {strides = array<i32>} : memref<80x128xi32, #tpu.memory_space<vmem>>, vector<1x16xi32>,
      %swap3A_241 = vector.shape_cast %swap3A_240 : vector<1x16xi32> to vector<16xi32>
      %swap3A_242 = vector.shape_cast %select_n3A_236 : vector<16xi32> to vector<1x16xi32>
      tpu.vector_store %arg8[%swap3A, %swap3A_239], %swap3A_242 {strides = array<i32>} : memref<80x128xi32, #tpu.memory_space<vmem>>, vector<1x16xi32>,
    }
    %scan3A_92 = arith.constant 640 : i32
    %scan3A_93 = arith.constant 0 : i32
    %scan3A_94 = arith.constant 0 : i32
    %scan3A_95 = arith.constant 512 : i32
    %scan3A_96 = arith.addi %scan3A_94, %scan3A_95 : i32
    %scan3A_97 = arith.constant 1 : i32
    scf.for %scan3A_173 = %scan3A_94 to %scan3A_96 step %scan3A_97  : i32 {
      %jit3A = arith.constant 4 : i32
      %div3A = arith.divsi %scan3A_173, %jit3A : i32
      %sign3A = arith.constant 0 : i32
      %sign3A_174 = arith.cmpi sgt, %scan3A_173, %sign3A : i32
      %sign3A_175 = arith.extui %sign3A_174 : i1 to i32
      %sign3A_176 = arith.constant 0 : i32
      %sign3A_177 = arith.cmpi slt, %scan3A_173, %sign3A_176 : i32
      %sign3A_178 = arith.extui %sign3A_177 : i1 to i32
      %sign3A_179 = arith.subi %sign3A_175, %sign3A_178 : i32
      %sign3A_180 = arith.constant 0 : i32
      %sign3A_181 = arith.cmpi sgt, %jit3A, %sign3A_180 : i32
      %sign3A_182 = arith.extui %sign3A_181 : i1 to i32
      %sign3A_183 = arith.constant 0 : i32
      %sign3A_184 = arith.cmpi slt, %jit3A, %sign3A_183 : i32
      %sign3A_185 = arith.extui %sign3A_184 : i1 to i32
      %sign3A_186 = arith.subi %sign3A_182, %sign3A_185 : i32
      %ne3A = arith.cmpi ne, %sign3A_179, %sign3A_186 : i32
      %rem3A = arith.remsi %scan3A_173, %jit3A : i32
      %ne3A_187 = arith.constant 0 : i32
      %ne3A_188 = arith.cmpi ne, %rem3A, %ne3A_187 : i32
      %and3A = arith.andi %ne3A, %ne3A_188 : i1
      %sub3A = arith.constant 1 : i32
      %sub3A_189 = arith.subi %div3A, %sub3A : i32
      %select_n3A = arith.select %and3A, %sub3A_189, %div3A : i32
      %jit3A_190 = arith.constant 4 : i32
      %eq3A = arith.constant 0 : i32
      %eq3A_191 = arith.cmpi eq, %jit3A_190, %eq3A : i32
      %jit3A_192 = arith.constant 1 : i32
      %select_n3A_193 = arith.select %eq3A_191, %jit3A_192, %jit3A_190 : i32
      %rem3A_194 = arith.remsi %scan3A_173, %select_n3A_193 : i32
      %ne3A_195 = arith.constant 0 : i32
      %ne3A_196 = arith.cmpi ne, %rem3A_194, %ne3A_195 : i32
      %lt3A = arith.constant 0 : i32
      %lt3A_197 = arith.cmpi slt, %rem3A_194, %lt3A : i32
      %lt3A_198 = arith.constant 0 : i32
      %lt3A_199 = arith.cmpi slt, %select_n3A_193, %lt3A_198 : i32
      %ne3A_200 = arith.xori %lt3A_197, %lt3A_199 : i1
      %and3A_201 = arith.andi %ne3A_200, %ne3A_196 : i1
      %add3A_202 = arith.addi %rem3A_194, %select_n3A_193 : i32
      %select_n3A_203 = arith.select %and3A_201, %add3A_202, %rem3A_194 : i32
      %broadcast_in_dim3A = arith.constant 0.000000e+00 : bf16
      %broadcast_in_dim3A_204 = vector.broadcast %broadcast_in_dim3A : bf16 to vector<32xbf16>
      %mul3A_205 = arith.constant 32 : i32
      %mul3A_206 = arith.muli %select_n3A_203, %mul3A_205 : i32
      %swap3A = arith.constant 0 : i32
      %swap3A_207 = arith.index_cast %swap3A : i32 to index
      %swap3A_208 = arith.index_cast %select_n3A : i32 to index
      %swap3A_209 = arith.index_cast %mul3A_206 : i32 to index
      %swap3A_210 = tpu.vector_load %arg9[%swap3A_207, %swap3A_208, %swap3A_209] {strides = array<i32>} : memref<4x128x128xbf16, #tpu.memory_space<vmem>>, vector<1x1x32xbf16>,
      %swap3A_211 = vector.shape_cast %swap3A_210 : vector<1x1x32xbf16> to vector<32xbf16>
      %swap3A_212 = vector.shape_cast %broadcast_in_dim3A_204 : vector<32xbf16> to vector<1x1x32xbf16>
      tpu.vector_store %arg9[%swap3A_207, %swap3A_208, %swap3A_209], %swap3A_212 {strides = array<i32>} : memref<4x128x128xbf16, #tpu.memory_space<vmem>>, vector<1x1x32xbf16>,
    }
    %scan3A_98 = arith.constant 512 : i32
    %add3A_99 = arith.constant 0 : i32
    %add3A_100 = arith.addi %mul3A_0, %add3A_99 : i32
    %run_scoped3A_101 = arith.constant 0 : i32
    "tpu.region"() ({
      %run_scoped3A_173 = tpu.sem_alloc : memref<!tpu.dma_semaphore, #tpu.memory_space<semaphore_mem>>
      %dma_start3A_174 = arith.constant 0 : i32
      %dma_start3A_175 = arith.constant 0 : i32
      %dma_start3A_176 = tpu.memref_slice %arg9[%run_scoped3A_101, %dma_start3A_174, %dma_start3A_175] : memref<4x128x128xbf16, #tpu.memory_space<vmem>> -> memref<1x128x128xbf16, #tpu.memory_space<vmem>>
      %dma_start3A_177 = tpu.memref_squeeze %dma_start3A_176 : memref<1x128x128xbf16, #tpu.memory_space<vmem>> -> memref<128x128xbf16, #tpu.memory_space<vmem>>
      %dma_start3A_178 = arith.constant 0 : i32
      %dma_start3A_179 = tpu.memref_slice %arg10[%add3A_100, %dma_start3A_178] : memref<5248x128xbf16, #tpu.memory_space<vmem_shared>> -> memref<128x128xbf16, #tpu.memory_space<vmem_shared>>
      %dma_start3A_180 = arith.constant 0 : i32
      %dma_start3A_181 = tpu.memref_slice %arg10[%add3A_100, %dma_start3A_180] : memref<5248x128xbf16, #tpu.memory_space<vmem_shared>> -> memref<128x128xbf16, #tpu.memory_space<vmem_shared>>
      %dma_start3A_182 = arith.constant 0 : i32
      %dma_start3A_183 = arith.constant 0 : i32
      %dma_start3A_184 = tpu.memref_slice %arg9[%run_scoped3A_101, %dma_start3A_182, %dma_start3A_183] : memref<4x128x128xbf16, #tpu.memory_space<vmem>> -> memref<1x128x128xbf16, #tpu.memory_space<vmem>>
      %dma_start3A_185 = tpu.memref_squeeze %dma_start3A_184 : memref<1x128x128xbf16, #tpu.memory_space<vmem>> -> memref<128x128xbf16, #tpu.memory_space<vmem>>
      tpu.enqueue_dma source(%dma_start3A_185 : memref<128x128xbf16, #tpu.memory_space<vmem>>) target(%dma_start3A_181 : memref<128x128xbf16, #tpu.memory_space<vmem_shared>>) target_semaphore(%run_scoped3A_173 : memref<!tpu.dma_semaphore, #tpu.memory_space<semaphore_mem>>)
      %dma_wait3A = arith.constant 0 : i32
      %dma_wait3A_186 = arith.constant 0 : i32
      %dma_wait3A_187 = tpu.memref_slice %arg9[%run_scoped3A_101, %dma_wait3A, %dma_wait3A_186] : memref<4x128x128xbf16, #tpu.memory_space<vmem>> -> memref<1x128x128xbf16, #tpu.memory_space<vmem>>
      %dma_wait3A_188 = tpu.memref_squeeze %dma_wait3A_187 : memref<1x128x128xbf16, #tpu.memory_space<vmem>> -> memref<128x128xbf16, #tpu.memory_space<vmem>>
      %dma_wait3A_189 = arith.constant 0 : i32
      %dma_wait3A_190 = tpu.memref_slice %arg10[%add3A_100, %dma_wait3A_189] : memref<5248x128xbf16, #tpu.memory_space<vmem_shared>> -> memref<128x128xbf16, #tpu.memory_space<vmem_shared>>
      %dma_wait3A_191 = arith.constant 0 : i32
      %dma_wait3A_192 = tpu.memref_slice %arg10[%add3A_100, %dma_wait3A_191] : memref<5248x128xbf16, #tpu.memory_space<vmem_shared>> -> memref<128x128xbf16, #tpu.memory_space<vmem_shared>>
      %dma_wait3A_193 = arith.constant 0 : i32
      %dma_wait3A_194 = arith.constant 0 : i32
      %dma_wait3A_195 = tpu.memref_slice %arg9[%run_scoped3A_101, %dma_wait3A_193, %dma_wait3A_194] : memref<4x128x128xbf16, #tpu.memory_space<vmem>> -> memref<1x128x128xbf16, #tpu.memory_space<vmem>>
      %dma_wait3A_196 = tpu.memref_squeeze %dma_wait3A_195 : memref<1x128x128xbf16, #tpu.memory_space<vmem>> -> memref<128x128xbf16, #tpu.memory_space<vmem>>
      tpu.wait_dma2 semaphore(%run_scoped3A_173 : memref<!tpu.dma_semaphore, #tpu.memory_space<semaphore_mem>>) src(%dma_wait3A_196 : memref<128x128xbf16, #tpu.memory_space<vmem>>) dst(%dma_wait3A_192 : memref<128x128xbf16, #tpu.memory_space<vmem_shared>>)
      tpu.yield
    }) : () -> ()
    %add3A_102 = arith.constant 128 : i32
    %add3A_103 = arith.addi %mul3A_0, %add3A_102 : i32
    %run_scoped3A_104 = arith.constant 0 : i32
    "tpu.region"() ({
      %run_scoped3A_173 = tpu.sem_alloc : memref<!tpu.dma_semaphore, #tpu.memory_space<semaphore_mem>>
      %dma_start3A_174 = arith.constant 0 : i32
      %dma_start3A_175 = arith.constant 0 : i32
      %dma_start3A_176 = tpu.memref_slice %arg9[%run_scoped3A_104, %dma_start3A_174, %dma_start3A_175] : memref<4x128x128xbf16, #tpu.memory_space<vmem>> -> memref<1x128x128xbf16, #tpu.memory_space<vmem>>
      %dma_start3A_177 = tpu.memref_squeeze %dma_start3A_176 : memref<1x128x128xbf16, #tpu.memory_space<vmem>> -> memref<128x128xbf16, #tpu.memory_space<vmem>>
      %dma_start3A_178 = arith.constant 0 : i32
      %dma_start3A_179 = tpu.memref_slice %arg10[%add3A_103, %dma_start3A_178] : memref<5248x128xbf16, #tpu.memory_space<vmem_shared>> -> memref<128x128xbf16, #tpu.memory_space<vmem_shared>>
      %dma_start3A_180 = arith.constant 0 : i32
      %dma_start3A_181 = tpu.memref_slice %arg10[%add3A_103, %dma_start3A_180] : memref<5248x128xbf16, #tpu.memory_space<vmem_shared>> -> memref<128x128xbf16, #tpu.memory_space<vmem_shared>>
      %dma_start3A_182 = arith.constant 0 : i32
      %dma_start3A_183 = arith.constant 0 : i32
      %dma_start3A_184 = tpu.memref_slice %arg9[%run_scoped3A_104, %dma_start3A_182, %dma_start3A_183] : memref<4x128x128xbf16, #tpu.memory_space<vmem>> -> memref<1x128x128xbf16, #tpu.memory_space<vmem>>
      %dma_start3A_185 = tpu.memref_squeeze %dma_start3A_184 : memref<1x128x128xbf16, #tpu.memory_space<vmem>> -> memref<128x128xbf16, #tpu.memory_space<vmem>>
      tpu.enqueue_dma source(%dma_start3A_185 : memref<128x128xbf16, #tpu.memory_space<vmem>>) target(%dma_start3A_181 : memref<128x128xbf16, #tpu.memory_space<vmem_shared>>) target_semaphore(%run_scoped3A_173 : memref<!tpu.dma_semaphore, #tpu.memory_space<semaphore_mem>>)
      %dma_wait3A = arith.constant 0 : i32
      %dma_wait3A_186 = arith.constant 0 : i32
      %dma_wait3A_187 = tpu.memref_slice %arg9[%run_scoped3A_104, %dma_wait3A, %dma_wait3A_186] : memref<4x128x128xbf16, #tpu.memory_space<vmem>> -> memref<1x128x128xbf16, #tpu.memory_space<vmem>>
      %dma_wait3A_188 = tpu.memref_squeeze %dma_wait3A_187 : memref<1x128x128xbf16, #tpu.memory_space<vmem>> -> memref<128x128xbf16, #tpu.memory_space<vmem>>
      %dma_wait3A_189 = arith.constant 0 : i32
      %dma_wait3A_190 = tpu.memref_slice %arg10[%add3A_103, %dma_wait3A_189] : memref<5248x128xbf16, #tpu.memory_space<vmem_shared>> -> memref<128x128xbf16, #tpu.memory_space<vmem_shared>>
      %dma_wait3A_191 = arith.constant 0 : i32
      %dma_wait3A_192 = tpu.memref_slice %arg10[%add3A_103, %dma_wait3A_191] : memref<5248x128xbf16, #tpu.memory_space<vmem_shared>> -> memref<128x128xbf16, #tpu.memory_space<vmem_shared>>
      %dma_wait3A_193 = arith.constant 0 : i32
      %dma_wait3A_194 = arith.constant 0 : i32
      %dma_wait3A_195 = tpu.memref_slice %arg9[%run_scoped3A_104, %dma_wait3A_193, %dma_wait3A_194] : memref<4x128x128xbf16, #tpu.memory_space<vmem>> -> memref<1x128x128xbf16, #tpu.memory_space<vmem>>
      %dma_wait3A_196 = tpu.memref_squeeze %dma_wait3A_195 : memref<1x128x128xbf16, #tpu.memory_space<vmem>> -> memref<128x128xbf16, #tpu.memory_space<vmem>>
      tpu.wait_dma2 semaphore(%run_scoped3A_173 : memref<!tpu.dma_semaphore, #tpu.memory_space<semaphore_mem>>) src(%dma_wait3A_196 : memref<128x128xbf16, #tpu.memory_space<vmem>>) dst(%dma_wait3A_192 : memref<128x128xbf16, #tpu.memory_space<vmem_shared>>)
      tpu.yield
    }) : () -> ()
    %add3A_105 = arith.constant 256 : i32
    %add3A_106 = arith.addi %mul3A_0, %add3A_105 : i32
    %run_scoped3A_107 = arith.constant 0 : i32
    "tpu.region"() ({
      %run_scoped3A_173 = tpu.sem_alloc : memref<!tpu.dma_semaphore, #tpu.memory_space<semaphore_mem>>
      %dma_start3A_174 = arith.constant 0 : i32
      %dma_start3A_175 = arith.constant 0 : i32
      %dma_start3A_176 = tpu.memref_slice %arg9[%run_scoped3A_107, %dma_start3A_174, %dma_start3A_175] : memref<4x128x128xbf16, #tpu.memory_space<vmem>> -> memref<1x72x128xbf16, #tpu.memory_space<vmem>>
      %dma_start3A_177 = tpu.memref_squeeze %dma_start3A_176 : memref<1x72x128xbf16, #tpu.memory_space<vmem>> -> memref<72x128xbf16, #tpu.memory_space<vmem>>
      %dma_start3A_178 = arith.constant 0 : i32
      %dma_start3A_179 = tpu.memref_slice %arg10[%add3A_106, %dma_start3A_178] : memref<5248x128xbf16, #tpu.memory_space<vmem_shared>> -> memref<72x128xbf16, #tpu.memory_space<vmem_shared>>
      %dma_start3A_180 = arith.constant 0 : i32
      %dma_start3A_181 = tpu.memref_slice %arg10[%add3A_106, %dma_start3A_180] : memref<5248x128xbf16, #tpu.memory_space<vmem_shared>> -> memref<72x128xbf16, #tpu.memory_space<vmem_shared>>
      %dma_start3A_182 = arith.constant 0 : i32
      %dma_start3A_183 = arith.constant 0 : i32
      %dma_start3A_184 = tpu.memref_slice %arg9[%run_scoped3A_107, %dma_start3A_182, %dma_start3A_183] : memref<4x128x128xbf16, #tpu.memory_space<vmem>> -> memref<1x72x128xbf16, #tpu.memory_space<vmem>>
      %dma_start3A_185 = tpu.memref_squeeze %dma_start3A_184 : memref<1x72x128xbf16, #tpu.memory_space<vmem>> -> memref<72x128xbf16, #tpu.memory_space<vmem>>
      tpu.enqueue_dma source(%dma_start3A_185 : memref<72x128xbf16, #tpu.memory_space<vmem>>) target(%dma_start3A_181 : memref<72x128xbf16, #tpu.memory_space<vmem_shared>>) target_semaphore(%run_scoped3A_173 : memref<!tpu.dma_semaphore, #tpu.memory_space<semaphore_mem>>)
      %dma_wait3A = arith.constant 0 : i32
      %dma_wait3A_186 = arith.constant 0 : i32
      %dma_wait3A_187 = tpu.memref_slice %arg9[%run_scoped3A_107, %dma_wait3A, %dma_wait3A_186] : memref<4x128x128xbf16, #tpu.memory_space<vmem>> -> memref<1x72x128xbf16, #tpu.memory_space<vmem>>
      %dma_wait3A_188 = tpu.memref_squeeze %dma_wait3A_187 : memref<1x72x128xbf16, #tpu.memory_space<vmem>> -> memref<72x128xbf16, #tpu.memory_space<vmem>>
      %dma_wait3A_189 = arith.constant 0 : i32
      %dma_wait3A_190 = tpu.memref_slice %arg10[%add3A_106, %dma_wait3A_189] : memref<5248x128xbf16, #tpu.memory_space<vmem_shared>> -> memref<72x128xbf16, #tpu.memory_space<vmem_shared>>
      %dma_wait3A_191 = arith.constant 0 : i32
      %dma_wait3A_192 = tpu.memref_slice %arg10[%add3A_106, %dma_wait3A_191] : memref<5248x128xbf16, #tpu.memory_space<vmem_shared>> -> memref<72x128xbf16, #tpu.memory_space<vmem_shared>>
      %dma_wait3A_193 = arith.constant 0 : i32
      %dma_wait3A_194 = arith.constant 0 : i32
      %dma_wait3A_195 = tpu.memref_slice %arg9[%run_scoped3A_107, %dma_wait3A_193, %dma_wait3A_194] : memref<4x128x128xbf16, #tpu.memory_space<vmem>> -> memref<1x72x128xbf16, #tpu.memory_space<vmem>>
      %dma_wait3A_196 = tpu.memref_squeeze %dma_wait3A_195 : memref<1x72x128xbf16, #tpu.memory_space<vmem>> -> memref<72x128xbf16, #tpu.memory_space<vmem>>
      tpu.wait_dma2 semaphore(%run_scoped3A_173 : memref<!tpu.dma_semaphore, #tpu.memory_space<semaphore_mem>>) src(%dma_wait3A_196 : memref<72x128xbf16, #tpu.memory_space<vmem>>) dst(%dma_wait3A_192 : memref<72x128xbf16, #tpu.memory_space<vmem_shared>>)
      tpu.yield
    }) : () -> ()
    %barrier3A_108 = arith.constant 0 : index
    tpu.barrier barrier_id(%barrier3A_108)
    %dma_start3A_109 = arith.constant 0 : i32
    %dma_start3A_110 = arith.constant 0 : i32
    %dma_start3A_111 = arith.constant 0 : i32
    %dma_start3A_112 = arith.constant 0 : i32
    %dma_start3A_113 = tpu.memref_slice %arg9[%dma_start3A_110, %dma_start3A_111, %dma_start3A_112] : memref<4x128x128xbf16, #tpu.memory_space<vmem>> -> memref<1x128x128xbf16, #tpu.memory_space<vmem>>
    %dma_start3A_114 = tpu.memref_squeeze %dma_start3A_113 : memref<1x128x128xbf16, #tpu.memory_space<vmem>> -> memref<128x128xbf16, #tpu.memory_space<vmem>>
    %dma_start3A_115 = arith.constant 0 : i32
    %dma_start3A_116 = tpu.memref_slice %arg6[%dma_start3A_109, %dma_start3A_115] : memref<80x128xi32, #tpu.memory_space<vmem>> -> memref<1x128xi32, #tpu.memory_space<vmem>>
    %dma_start3A_117 = tpu.memref_squeeze %dma_start3A_116 : memref<1x128xi32, #tpu.memory_space<vmem>> -> memref<128xi32, #tpu.memory_space<vmem>>
    %dma_start3A_118 = arith.constant 0 : i32
    %dma_start3A_119 = arith.constant 0 : i32
    %dma_start3A_120 = tpu.memref_slice %arg2[%dma_start3A_118, %dma_start3A_119] : memref<10240x128xbf16, #tpu.memory_space<hbm>> -> memref<10240x128xbf16, #tpu.memory_space<hbm>>
    tpu.enqueue_indirect_dma source(%dma_start3A_120 : memref<10240x128xbf16, #tpu.memory_space<hbm>>) target(%dma_start3A_114 : memref<128x128xbf16, #tpu.memory_space<vmem>>) offsets(%dma_start3A_117 : memref<128xi32, #tpu.memory_space<vmem>>) semaphore(%arg11 : memref<!tpu.dma_semaphore, #tpu.memory_space<semaphore_mem>>)
    %dma_start3A_121 = arith.constant 1 : i32
    %dma_start3A_122 = arith.constant 1 : i32
    %dma_start3A_123 = arith.constant 0 : i32
    %dma_start3A_124 = arith.constant 0 : i32
    %dma_start3A_125 = tpu.memref_slice %arg9[%dma_start3A_122, %dma_start3A_123, %dma_start3A_124] : memref<4x128x128xbf16, #tpu.memory_space<vmem>> -> memref<1x128x128xbf16, #tpu.memory_space<vmem>>
    %dma_start3A_126 = tpu.memref_squeeze %dma_start3A_125 : memref<1x128x128xbf16, #tpu.memory_space<vmem>> -> memref<128x128xbf16, #tpu.memory_space<vmem>>
    %dma_start3A_127 = arith.constant 0 : i32
    %dma_start3A_128 = tpu.memref_slice %arg6[%dma_start3A_121, %dma_start3A_127] : memref<80x128xi32, #tpu.memory_space<vmem>> -> memref<1x128xi32, #tpu.memory_space<vmem>>
    %dma_start3A_129 = tpu.memref_squeeze %dma_start3A_128 : memref<1x128xi32, #tpu.memory_space<vmem>> -> memref<128xi32, #tpu.memory_space<vmem>>
    %dma_start3A_130 = arith.constant 0 : i32
    %dma_start3A_131 = arith.constant 0 : i32
    %dma_start3A_132 = tpu.memref_slice %arg2[%dma_start3A_130, %dma_start3A_131] : memref<10240x128xbf16, #tpu.memory_space<hbm>> -> memref<10240x128xbf16, #tpu.memory_space<hbm>>
    tpu.enqueue_indirect_dma source(%dma_start3A_132 : memref<10240x128xbf16, #tpu.memory_space<hbm>>) target(%dma_start3A_126 : memref<128x128xbf16, #tpu.memory_space<vmem>>) offsets(%dma_start3A_129 : memref<128xi32, #tpu.memory_space<vmem>>) semaphore(%arg12 : memref<!tpu.dma_semaphore, #tpu.memory_space<semaphore_mem>>)
    %dma_start3A_133 = arith.constant 2 : i32
    %dma_start3A_134 = arith.constant 2 : i32
    %dma_start3A_135 = arith.constant 0 : i32
    %dma_start3A_136 = arith.constant 0 : i32
    %dma_start3A_137 = tpu.memref_slice %arg9[%dma_start3A_134, %dma_start3A_135, %dma_start3A_136] : memref<4x128x128xbf16, #tpu.memory_space<vmem>> -> memref<1x128x128xbf16, #tpu.memory_space<vmem>>
    %dma_start3A_138 = tpu.memref_squeeze %dma_start3A_137 : memref<1x128x128xbf16, #tpu.memory_space<vmem>> -> memref<128x128xbf16, #tpu.memory_space<vmem>>
    %dma_start3A_139 = arith.constant 0 : i32
    %dma_start3A_140 = tpu.memref_slice %arg6[%dma_start3A_133, %dma_start3A_139] : memref<80x128xi32, #tpu.memory_space<vmem>> -> memref<1x128xi32, #tpu.memory_space<vmem>>
    %dma_start3A_141 = tpu.memref_squeeze %dma_start3A_140 : memref<1x128xi32, #tpu.memory_space<vmem>> -> memref<128xi32, #tpu.memory_space<vmem>>
    %dma_start3A_142 = arith.constant 0 : i32
    %dma_start3A_143 = arith.constant 0 : i32
    %dma_start3A_144 = tpu.memref_slice %arg2[%dma_start3A_142, %dma_start3A_143] : memref<10240x128xbf16, #tpu.memory_space<hbm>> -> memref<10240x128xbf16, #tpu.memory_space<hbm>>
    tpu.enqueue_indirect_dma source(%dma_start3A_144 : memref<10240x128xbf16, #tpu.memory_space<hbm>>) target(%dma_start3A_138 : memref<128x128xbf16, #tpu.memory_space<vmem>>) offsets(%dma_start3A_141 : memref<128xi32, #tpu.memory_space<vmem>>) semaphore(%arg13 : memref<!tpu.dma_semaphore, #tpu.memory_space<semaphore_mem>>)
    %dma_start3A_145 = arith.constant 3 : i32
    %dma_start3A_146 = arith.constant 3 : i32
    %dma_start3A_147 = arith.constant 0 : i32
    %dma_start3A_148 = arith.constant 0 : i32
    %dma_start3A_149 = tpu.memref_slice %arg9[%dma_start3A_146, %dma_start3A_147, %dma_start3A_148] : memref<4x128x128xbf16, #tpu.memory_space<vmem>> -> memref<1x128x128xbf16, #tpu.memory_space<vmem>>
    %dma_start3A_150 = tpu.memref_squeeze %dma_start3A_149 : memref<1x128x128xbf16, #tpu.memory_space<vmem>> -> memref<128x128xbf16, #tpu.memory_space<vmem>>
    %dma_start3A_151 = arith.constant 0 : i32
    %dma_start3A_152 = tpu.memref_slice %arg6[%dma_start3A_145, %dma_start3A_151] : memref<80x128xi32, #tpu.memory_space<vmem>> -> memref<1x128xi32, #tpu.memory_space<vmem>>
    %dma_start3A_153 = tpu.memref_squeeze %dma_start3A_152 : memref<1x128xi32, #tpu.memory_space<vmem>> -> memref<128xi32, #tpu.memory_space<vmem>>
    %dma_start3A_154 = arith.constant 0 : i32
    %dma_start3A_155 = arith.constant 0 : i32
    %dma_start3A_156 = tpu.memref_slice %arg2[%dma_start3A_154, %dma_start3A_155] : memref<10240x128xbf16, #tpu.memory_space<hbm>> -> memref<10240x128xbf16, #tpu.memory_space<hbm>>
    tpu.enqueue_indirect_dma source(%dma_start3A_156 : memref<10240x128xbf16, #tpu.memory_space<hbm>>) target(%dma_start3A_150 : memref<128x128xbf16, #tpu.memory_space<vmem>>) offsets(%dma_start3A_153 : memref<128xi32, #tpu.memory_space<vmem>>) semaphore(%arg14 : memref<!tpu.dma_semaphore, #tpu.memory_space<semaphore_mem>>)
    %scan3A_157 = arith.constant 0 : i32
    %scan3A_158 = arith.constant 0 : i32
    %scan3A_159 = arith.constant 20 : i32
    %scan3A_160 = arith.addi %scan3A_158, %scan3A_159 : i32
    %scan3A_161 = arith.constant 1 : i32
    scf.for %scan3A_173 = %scan3A_158 to %scan3A_160 step %scan3A_161  : i32 {
      %mul3A_174 = arith.constant 4 : i32
      %mul3A_175 = arith.muli %scan3A_173, %mul3A_174 : i32
      %add3A_176 = arith.constant 0 : i32
      %add3A_177 = arith.addi %mul3A_175, %add3A_176 : i32
      %dma_wait3A = arith.constant 0 : i32
      %dma_wait3A_178 = arith.constant 0 : i32
      %dma_wait3A_179 = arith.constant 0 : i32
      %dma_wait3A_180 = tpu.memref_slice %arg9[%dma_wait3A, %dma_wait3A_178, %dma_wait3A_179] : memref<4x128x128xbf16, #tpu.memory_space<vmem>> -> memref<1x128x128xbf16, #tpu.memory_space<vmem>>
      %dma_wait3A_181 = tpu.memref_squeeze %dma_wait3A_180 : memref<1x128x128xbf16, #tpu.memory_space<vmem>> -> memref<128x128xbf16, #tpu.memory_space<vmem>>
      %dma_wait3A_182 = arith.constant 0 : i32
      %dma_wait3A_183 = tpu.memref_slice %arg6[%add3A_177, %dma_wait3A_182] : memref<80x128xi32, #tpu.memory_space<vmem>> -> memref<1x128xi32, #tpu.memory_space<vmem>>
      %dma_wait3A_184 = tpu.memref_squeeze %dma_wait3A_183 : memref<1x128xi32, #tpu.memory_space<vmem>> -> memref<128xi32, #tpu.memory_space<vmem>>
      %dma_wait3A_185 = arith.constant 0 : i32
      %dma_wait3A_186 = arith.constant 0 : i32
      %dma_wait3A_187 = tpu.memref_slice %arg2[%dma_wait3A_185, %dma_wait3A_186] : memref<10240x128xbf16, #tpu.memory_space<hbm>> -> memref<10240x128xbf16, #tpu.memory_space<hbm>>
      tpu.wait_indirect_dma semaphore(%arg11 : memref<!tpu.dma_semaphore, #tpu.memory_space<semaphore_mem>>) src(%dma_wait3A_187 : memref<10240x128xbf16, #tpu.memory_space<hbm>>) dst(%dma_wait3A_181 : memref<128x128xbf16, #tpu.memory_space<vmem>>)
      %run_scoped3A_188 = arith.constant 0 : i32
      "tpu.region"() ({
        %run_scoped3A_262 = tpu.sem_alloc : memref<!tpu.dma_semaphore, #tpu.memory_space<semaphore_mem>>
        %dma_start3A_263 = arith.constant 0 : i32
        %dma_start3A_264 = arith.constant 0 : i32
        %dma_start3A_265 = tpu.memref_slice %arg9[%run_scoped3A_188, %dma_start3A_263, %dma_start3A_264] : memref<4x128x128xbf16, #tpu.memory_space<vmem>> -> memref<1x128x128xbf16, #tpu.memory_space<vmem>>
        %dma_start3A_266 = tpu.memref_squeeze %dma_start3A_265 : memref<1x128x128xbf16, #tpu.memory_space<vmem>> -> memref<128x128xbf16, #tpu.memory_space<vmem>>
        %dma_start3A_267 = arith.constant 0 : i32
        %dma_start3A_268 = tpu.memref_slice %arg8[%add3A_177, %dma_start3A_267] : memref<80x128xi32, #tpu.memory_space<vmem>> -> memref<1x128xi32, #tpu.memory_space<vmem>>
        %dma_start3A_269 = tpu.memref_squeeze %dma_start3A_268 : memref<1x128xi32, #tpu.memory_space<vmem>> -> memref<128xi32, #tpu.memory_space<vmem>>
        %dma_start3A_270 = arith.constant 0 : i32
        %dma_start3A_271 = arith.constant 0 : i32
        %dma_start3A_272 = tpu.memref_slice %arg10[%dma_start3A_270, %dma_start3A_271] : memref<5248x128xbf16, #tpu.memory_space<vmem_shared>> -> memref<5248x128xbf16, #tpu.memory_space<vmem_shared>>
        tpu.enqueue_indirect_dma source(%dma_start3A_266 : memref<128x128xbf16, #tpu.memory_space<vmem>>) target(%dma_start3A_272 : memref<5248x128xbf16, #tpu.memory_space<vmem_shared>>) offsets(%dma_start3A_269 : memref<128xi32, #tpu.memory_space<vmem>>) semaphore(%run_scoped3A_262 : memref<!tpu.dma_semaphore, #tpu.memory_space<semaphore_mem>>) {add = true}
        %dma_wait3A_273 = arith.constant 0 : i32
        %dma_wait3A_274 = arith.constant 0 : i32
        %dma_wait3A_275 = tpu.memref_slice %arg9[%run_scoped3A_188, %dma_wait3A_273, %dma_wait3A_274] : memref<4x128x128xbf16, #tpu.memory_space<vmem>> -> memref<1x128x128xbf16, #tpu.memory_space<vmem>>
        %dma_wait3A_276 = tpu.memref_squeeze %dma_wait3A_275 : memref<1x128x128xbf16, #tpu.memory_space<vmem>> -> memref<128x128xbf16, #tpu.memory_space<vmem>>
        %dma_wait3A_277 = arith.constant 0 : i32
        %dma_wait3A_278 = tpu.memref_slice %arg8[%add3A_177, %dma_wait3A_277] : memref<80x128xi32, #tpu.memory_space<vmem>> -> memref<1x128xi32, #tpu.memory_space<vmem>>
        %dma_wait3A_279 = tpu.memref_squeeze %dma_wait3A_278 : memref<1x128xi32, #tpu.memory_space<vmem>> -> memref<128xi32, #tpu.memory_space<vmem>>
        %dma_wait3A_280 = arith.constant 0 : i32
        %dma_wait3A_281 = arith.constant 0 : i32
        %dma_wait3A_282 = tpu.memref_slice %arg10[%dma_wait3A_280, %dma_wait3A_281] : memref<5248x128xbf16, #tpu.memory_space<vmem_shared>> -> memref<5248x128xbf16, #tpu.memory_space<vmem_shared>>
        tpu.wait_indirect_dma semaphore(%run_scoped3A_262 : memref<!tpu.dma_semaphore, #tpu.memory_space<semaphore_mem>>) src(%dma_wait3A_276 : memref<128x128xbf16, #tpu.memory_space<vmem>>) dst(%dma_wait3A_282 : memref<5248x128xbf16, #tpu.memory_space<vmem_shared>>)
        tpu.yield
      }) : () -> ()
      %add3A_189 = arith.constant 4 : i32
      %add3A_190 = arith.addi %add3A_177, %add3A_189 : i32
      %lt3A = arith.constant 80 : i32
      %lt3A_191 = arith.cmpi slt, %add3A_190, %lt3A : i32
      %convert_element_type3A = arith.extui %lt3A_191 : i1 to i32
      %cond3A = arith.constant 0 : i32
      %cond3A_192 = arith.cmpi ne, %convert_element_type3A, %cond3A : i32
      scf.if %cond3A_192 {
        %dma_start3A_262 = arith.constant 0 : i32
        %dma_start3A_263 = arith.constant 0 : i32
        %dma_start3A_264 = arith.constant 0 : i32
        %dma_start3A_265 = tpu.memref_slice %arg9[%dma_start3A_262, %dma_start3A_263, %dma_start3A_264] : memref<4x128x128xbf16, #tpu.memory_space<vmem>> -> memref<1x128x128xbf16, #tpu.memory_space<vmem>>
        %dma_start3A_266 = tpu.memref_squeeze %dma_start3A_265 : memref<1x128x128xbf16, #tpu.memory_space<vmem>> -> memref<128x128xbf16, #tpu.memory_space<vmem>>
        %dma_start3A_267 = arith.constant 0 : i32
        %dma_start3A_268 = tpu.memref_slice %arg6[%add3A_190, %dma_start3A_267] : memref<80x128xi32, #tpu.memory_space<vmem>> -> memref<1x128xi32, #tpu.memory_space<vmem>>
        %dma_start3A_269 = tpu.memref_squeeze %dma_start3A_268 : memref<1x128xi32, #tpu.memory_space<vmem>> -> memref<128xi32, #tpu.memory_space<vmem>>
        %dma_start3A_270 = arith.constant 0 : i32
        %dma_start3A_271 = arith.constant 0 : i32
        %dma_start3A_272 = tpu.memref_slice %arg2[%dma_start3A_270, %dma_start3A_271] : memref<10240x128xbf16, #tpu.memory_space<hbm>> -> memref<10240x128xbf16, #tpu.memory_space<hbm>>
        tpu.enqueue_indirect_dma source(%dma_start3A_272 : memref<10240x128xbf16, #tpu.memory_space<hbm>>) target(%dma_start3A_266 : memref<128x128xbf16, #tpu.memory_space<vmem>>) offsets(%dma_start3A_269 : memref<128xi32, #tpu.memory_space<vmem>>) semaphore(%arg11 : memref<!tpu.dma_semaphore, #tpu.memory_space<semaphore_mem>>)
      } else {
      }
      %mul3A_193 = arith.constant 4 : i32
      %mul3A_194 = arith.muli %scan3A_173, %mul3A_193 : i32
      %add3A_195 = arith.constant 1 : i32
      %add3A_196 = arith.addi %mul3A_194, %add3A_195 : i32
      %dma_wait3A_197 = arith.constant 1 : i32
      %dma_wait3A_198 = arith.constant 0 : i32
      %dma_wait3A_199 = arith.constant 0 : i32
      %dma_wait3A_200 = tpu.memref_slice %arg9[%dma_wait3A_197, %dma_wait3A_198, %dma_wait3A_199] : memref<4x128x128xbf16, #tpu.memory_space<vmem>> -> memref<1x128x128xbf16, #tpu.memory_space<vmem>>
      %dma_wait3A_201 = tpu.memref_squeeze %dma_wait3A_200 : memref<1x128x128xbf16, #tpu.memory_space<vmem>> -> memref<128x128xbf16, #tpu.memory_space<vmem>>
      %dma_wait3A_202 = arith.constant 0 : i32
      %dma_wait3A_203 = tpu.memref_slice %arg6[%add3A_196, %dma_wait3A_202] : memref<80x128xi32, #tpu.memory_space<vmem>> -> memref<1x128xi32, #tpu.memory_space<vmem>>
      %dma_wait3A_204 = tpu.memref_squeeze %dma_wait3A_203 : memref<1x128xi32, #tpu.memory_space<vmem>> -> memref<128xi32, #tpu.memory_space<vmem>>
      %dma_wait3A_205 = arith.constant 0 : i32
      %dma_wait3A_206 = arith.constant 0 : i32
      %dma_wait3A_207 = tpu.memref_slice %arg2[%dma_wait3A_205, %dma_wait3A_206] : memref<10240x128xbf16, #tpu.memory_space<hbm>> -> memref<10240x128xbf16, #tpu.memory_space<hbm>>
      tpu.wait_indirect_dma semaphore(%arg12 : memref<!tpu.dma_semaphore, #tpu.memory_space<semaphore_mem>>) src(%dma_wait3A_207 : memref<10240x128xbf16, #tpu.memory_space<hbm>>) dst(%dma_wait3A_201 : memref<128x128xbf16, #tpu.memory_space<vmem>>)
      %run_scoped3A_208 = arith.constant 1 : i32
      "tpu.region"() ({
        %run_scoped3A_262 = tpu.sem_alloc : memref<!tpu.dma_semaphore, #tpu.memory_space<semaphore_mem>>
        %dma_start3A_263 = arith.constant 0 : i32
        %dma_start3A_264 = arith.constant 0 : i32
        %dma_start3A_265 = tpu.memref_slice %arg9[%run_scoped3A_208, %dma_start3A_263, %dma_start3A_264] : memref<4x128x128xbf16, #tpu.memory_space<vmem>> -> memref<1x128x128xbf16, #tpu.memory_space<vmem>>
        %dma_start3A_266 = tpu.memref_squeeze %dma_start3A_265 : memref<1x128x128xbf16, #tpu.memory_space<vmem>> -> memref<128x128xbf16, #tpu.memory_space<vmem>>
        %dma_start3A_267 = arith.constant 0 : i32
        %dma_start3A_268 = tpu.memref_slice %arg8[%add3A_196, %dma_start3A_267] : memref<80x128xi32, #tpu.memory_space<vmem>> -> memref<1x128xi32, #tpu.memory_space<vmem>>
        %dma_start3A_269 = tpu.memref_squeeze %dma_start3A_268 : memref<1x128xi32, #tpu.memory_space<vmem>> -> memref<128xi32, #tpu.memory_space<vmem>>
        %dma_start3A_270 = arith.constant 0 : i32
        %dma_start3A_271 = arith.constant 0 : i32
        %dma_start3A_272 = tpu.memref_slice %arg10[%dma_start3A_270, %dma_start3A_271] : memref<5248x128xbf16, #tpu.memory_space<vmem_shared>> -> memref<5248x128xbf16, #tpu.memory_space<vmem_shared>>
        tpu.enqueue_indirect_dma source(%dma_start3A_266 : memref<128x128xbf16, #tpu.memory_space<vmem>>) target(%dma_start3A_272 : memref<5248x128xbf16, #tpu.memory_space<vmem_shared>>) offsets(%dma_start3A_269 : memref<128xi32, #tpu.memory_space<vmem>>) semaphore(%run_scoped3A_262 : memref<!tpu.dma_semaphore, #tpu.memory_space<semaphore_mem>>) {add = true}
        %dma_wait3A_273 = arith.constant 0 : i32
        %dma_wait3A_274 = arith.constant 0 : i32
        %dma_wait3A_275 = tpu.memref_slice %arg9[%run_scoped3A_208, %dma_wait3A_273, %dma_wait3A_274] : memref<4x128x128xbf16, #tpu.memory_space<vmem>> -> memref<1x128x128xbf16, #tpu.memory_space<vmem>>
        %dma_wait3A_276 = tpu.memref_squeeze %dma_wait3A_275 : memref<1x128x128xbf16, #tpu.memory_space<vmem>> -> memref<128x128xbf16, #tpu.memory_space<vmem>>
        %dma_wait3A_277 = arith.constant 0 : i32
        %dma_wait3A_278 = tpu.memref_slice %arg8[%add3A_196, %dma_wait3A_277] : memref<80x128xi32, #tpu.memory_space<vmem>> -> memref<1x128xi32, #tpu.memory_space<vmem>>
        %dma_wait3A_279 = tpu.memref_squeeze %dma_wait3A_278 : memref<1x128xi32, #tpu.memory_space<vmem>> -> memref<128xi32, #tpu.memory_space<vmem>>
        %dma_wait3A_280 = arith.constant 0 : i32
        %dma_wait3A_281 = arith.constant 0 : i32
        %dma_wait3A_282 = tpu.memref_slice %arg10[%dma_wait3A_280, %dma_wait3A_281] : memref<5248x128xbf16, #tpu.memory_space<vmem_shared>> -> memref<5248x128xbf16, #tpu.memory_space<vmem_shared>>
        tpu.wait_indirect_dma semaphore(%run_scoped3A_262 : memref<!tpu.dma_semaphore, #tpu.memory_space<semaphore_mem>>) src(%dma_wait3A_276 : memref<128x128xbf16, #tpu.memory_space<vmem>>) dst(%dma_wait3A_282 : memref<5248x128xbf16, #tpu.memory_space<vmem_shared>>)
        tpu.yield
      }) : () -> ()
      %add3A_209 = arith.constant 4 : i32
      %add3A_210 = arith.addi %add3A_196, %add3A_209 : i32
      %lt3A_211 = arith.constant 80 : i32
      %lt3A_212 = arith.cmpi slt, %add3A_210, %lt3A_211 : i32
      %convert_element_type3A_213 = arith.extui %lt3A_212 : i1 to i32
      %cond3A_214 = arith.constant 0 : i32
      %cond3A_215 = arith.cmpi ne, %convert_element_type3A_213, %cond3A_214 : i32
      scf.if %cond3A_215 {
        %dma_start3A_262 = arith.constant 1 : i32
        %dma_start3A_263 = arith.constant 0 : i32
        %dma_start3A_264 = arith.constant 0 : i32
        %dma_start3A_265 = tpu.memref_slice %arg9[%dma_start3A_262, %dma_start3A_263, %dma_start3A_264] : memref<4x128x128xbf16, #tpu.memory_space<vmem>> -> memref<1x128x128xbf16, #tpu.memory_space<vmem>>
        %dma_start3A_266 = tpu.memref_squeeze %dma_start3A_265 : memref<1x128x128xbf16, #tpu.memory_space<vmem>> -> memref<128x128xbf16, #tpu.memory_space<vmem>>
        %dma_start3A_267 = arith.constant 0 : i32
        %dma_start3A_268 = tpu.memref_slice %arg6[%add3A_210, %dma_start3A_267] : memref<80x128xi32, #tpu.memory_space<vmem>> -> memref<1x128xi32, #tpu.memory_space<vmem>>
        %dma_start3A_269 = tpu.memref_squeeze %dma_start3A_268 : memref<1x128xi32, #tpu.memory_space<vmem>> -> memref<128xi32, #tpu.memory_space<vmem>>
        %dma_start3A_270 = arith.constant 0 : i32
        %dma_start3A_271 = arith.constant 0 : i32
        %dma_start3A_272 = tpu.memref_slice %arg2[%dma_start3A_270, %dma_start3A_271] : memref<10240x128xbf16, #tpu.memory_space<hbm>> -> memref<10240x128xbf16, #tpu.memory_space<hbm>>
        tpu.enqueue_indirect_dma source(%dma_start3A_272 : memref<10240x128xbf16, #tpu.memory_space<hbm>>) target(%dma_start3A_266 : memref<128x128xbf16, #tpu.memory_space<vmem>>) offsets(%dma_start3A_269 : memref<128xi32, #tpu.memory_space<vmem>>) semaphore(%arg12 : memref<!tpu.dma_semaphore, #tpu.memory_space<semaphore_mem>>)
      } else {
      }
      %mul3A_216 = arith.constant 4 : i32
      %mul3A_217 = arith.muli %scan3A_173, %mul3A_216 : i32
      %add3A_218 = arith.constant 2 : i32
      %add3A_219 = arith.addi %mul3A_217, %add3A_218 : i32
      %dma_wait3A_220 = arith.constant 2 : i32
      %dma_wait3A_221 = arith.constant 0 : i32
      %dma_wait3A_222 = arith.constant 0 : i32
      %dma_wait3A_223 = tpu.memref_slice %arg9[%dma_wait3A_220, %dma_wait3A_221, %dma_wait3A_222] : memref<4x128x128xbf16, #tpu.memory_space<vmem>> -> memref<1x128x128xbf16, #tpu.memory_space<vmem>>
      %dma_wait3A_224 = tpu.memref_squeeze %dma_wait3A_223 : memref<1x128x128xbf16, #tpu.memory_space<vmem>> -> memref<128x128xbf16, #tpu.memory_space<vmem>>
      %dma_wait3A_225 = arith.constant 0 : i32
      %dma_wait3A_226 = tpu.memref_slice %arg6[%add3A_219, %dma_wait3A_225] : memref<80x128xi32, #tpu.memory_space<vmem>> -> memref<1x128xi32, #tpu.memory_space<vmem>>
      %dma_wait3A_227 = tpu.memref_squeeze %dma_wait3A_226 : memref<1x128xi32, #tpu.memory_space<vmem>> -> memref<128xi32, #tpu.memory_space<vmem>>
      %dma_wait3A_228 = arith.constant 0 : i32
      %dma_wait3A_229 = arith.constant 0 : i32
      %dma_wait3A_230 = tpu.memref_slice %arg2[%dma_wait3A_228, %dma_wait3A_229] : memref<10240x128xbf16, #tpu.memory_space<hbm>> -> memref<10240x128xbf16, #tpu.memory_space<hbm>>
      tpu.wait_indirect_dma semaphore(%arg13 : memref<!tpu.dma_semaphore, #tpu.memory_space<semaphore_mem>>) src(%dma_wait3A_230 : memref<10240x128xbf16, #tpu.memory_space<hbm>>) dst(%dma_wait3A_224 : memref<128x128xbf16, #tpu.memory_space<vmem>>)
      %run_scoped3A_231 = arith.constant 2 : i32
      "tpu.region"() ({
        %run_scoped3A_262 = tpu.sem_alloc : memref<!tpu.dma_semaphore, #tpu.memory_space<semaphore_mem>>
        %dma_start3A_263 = arith.constant 0 : i32
        %dma_start3A_264 = arith.constant 0 : i32
        %dma_start3A_265 = tpu.memref_slice %arg9[%run_scoped3A_231, %dma_start3A_263, %dma_start3A_264] : memref<4x128x128xbf16, #tpu.memory_space<vmem>> -> memref<1x128x128xbf16, #tpu.memory_space<vmem>>
        %dma_start3A_266 = tpu.memref_squeeze %dma_start3A_265 : memref<1x128x128xbf16, #tpu.memory_space<vmem>> -> memref<128x128xbf16, #tpu.memory_space<vmem>>
        %dma_start3A_267 = arith.constant 0 : i32
        %dma_start3A_268 = tpu.memref_slice %arg8[%add3A_219, %dma_start3A_267] : memref<80x128xi32, #tpu.memory_space<vmem>> -> memref<1x128xi32, #tpu.memory_space<vmem>>
        %dma_start3A_269 = tpu.memref_squeeze %dma_start3A_268 : memref<1x128xi32, #tpu.memory_space<vmem>> -> memref<128xi32, #tpu.memory_space<vmem>>
        %dma_start3A_270 = arith.constant 0 : i32
        %dma_start3A_271 = arith.constant 0 : i32
        %dma_start3A_272 = tpu.memref_slice %arg10[%dma_start3A_270, %dma_start3A_271] : memref<5248x128xbf16, #tpu.memory_space<vmem_shared>> -> memref<5248x128xbf16, #tpu.memory_space<vmem_shared>>
        tpu.enqueue_indirect_dma source(%dma_start3A_266 : memref<128x128xbf16, #tpu.memory_space<vmem>>) target(%dma_start3A_272 : memref<5248x128xbf16, #tpu.memory_space<vmem_shared>>) offsets(%dma_start3A_269 : memref<128xi32, #tpu.memory_space<vmem>>) semaphore(%run_scoped3A_262 : memref<!tpu.dma_semaphore, #tpu.memory_space<semaphore_mem>>) {add = true}
        %dma_wait3A_273 = arith.constant 0 : i32
        %dma_wait3A_274 = arith.constant 0 : i32
        %dma_wait3A_275 = tpu.memref_slice %arg9[%run_scoped3A_231, %dma_wait3A_273, %dma_wait3A_274] : memref<4x128x128xbf16, #tpu.memory_space<vmem>> -> memref<1x128x128xbf16, #tpu.memory_space<vmem>>
        %dma_wait3A_276 = tpu.memref_squeeze %dma_wait3A_275 : memref<1x128x128xbf16, #tpu.memory_space<vmem>> -> memref<128x128xbf16, #tpu.memory_space<vmem>>
        %dma_wait3A_277 = arith.constant 0 : i32
        %dma_wait3A_278 = tpu.memref_slice %arg8[%add3A_219, %dma_wait3A_277] : memref<80x128xi32, #tpu.memory_space<vmem>> -> memref<1x128xi32, #tpu.memory_space<vmem>>
        %dma_wait3A_279 = tpu.memref_squeeze %dma_wait3A_278 : memref<1x128xi32, #tpu.memory_space<vmem>> -> memref<128xi32, #tpu.memory_space<vmem>>
        %dma_wait3A_280 = arith.constant 0 : i32
        %dma_wait3A_281 = arith.constant 0 : i32
        %dma_wait3A_282 = tpu.memref_slice %arg10[%dma_wait3A_280, %dma_wait3A_281] : memref<5248x128xbf16, #tpu.memory_space<vmem_shared>> -> memref<5248x128xbf16, #tpu.memory_space<vmem_shared>>
        tpu.wait_indirect_dma semaphore(%run_scoped3A_262 : memref<!tpu.dma_semaphore, #tpu.memory_space<semaphore_mem>>) src(%dma_wait3A_276 : memref<128x128xbf16, #tpu.memory_space<vmem>>) dst(%dma_wait3A_282 : memref<5248x128xbf16, #tpu.memory_space<vmem_shared>>)
        tpu.yield
      }) : () -> ()
      %add3A_232 = arith.constant 4 : i32
      %add3A_233 = arith.addi %add3A_219, %add3A_232 : i32
      %lt3A_234 = arith.constant 80 : i32
      %lt3A_235 = arith.cmpi slt, %add3A_233, %lt3A_234 : i32
      %convert_element_type3A_236 = arith.extui %lt3A_235 : i1 to i32
      %cond3A_237 = arith.constant 0 : i32
      %cond3A_238 = arith.cmpi ne, %convert_element_type3A_236, %cond3A_237 : i32
      scf.if %cond3A_238 {
        %dma_start3A_262 = arith.constant 2 : i32
        %dma_start3A_263 = arith.constant 0 : i32
        %dma_start3A_264 = arith.constant 0 : i32
        %dma_start3A_265 = tpu.memref_slice %arg9[%dma_start3A_262, %dma_start3A_263, %dma_start3A_264] : memref<4x128x128xbf16, #tpu.memory_space<vmem>> -> memref<1x128x128xbf16, #tpu.memory_space<vmem>>
        %dma_start3A_266 = tpu.memref_squeeze %dma_start3A_265 : memref<1x128x128xbf16, #tpu.memory_space<vmem>> -> memref<128x128xbf16, #tpu.memory_space<vmem>>
        %dma_start3A_267 = arith.constant 0 : i32
        %dma_start3A_268 = tpu.memref_slice %arg6[%add3A_233, %dma_start3A_267] : memref<80x128xi32, #tpu.memory_space<vmem>> -> memref<1x128xi32, #tpu.memory_space<vmem>>
        %dma_start3A_269 = tpu.memref_squeeze %dma_start3A_268 : memref<1x128xi32, #tpu.memory_space<vmem>> -> memref<128xi32, #tpu.memory_space<vmem>>
        %dma_start3A_270 = arith.constant 0 : i32
        %dma_start3A_271 = arith.constant 0 : i32
        %dma_start3A_272 = tpu.memref_slice %arg2[%dma_start3A_270, %dma_start3A_271] : memref<10240x128xbf16, #tpu.memory_space<hbm>> -> memref<10240x128xbf16, #tpu.memory_space<hbm>>
        tpu.enqueue_indirect_dma source(%dma_start3A_272 : memref<10240x128xbf16, #tpu.memory_space<hbm>>) target(%dma_start3A_266 : memref<128x128xbf16, #tpu.memory_space<vmem>>) offsets(%dma_start3A_269 : memref<128xi32, #tpu.memory_space<vmem>>) semaphore(%arg13 : memref<!tpu.dma_semaphore, #tpu.memory_space<semaphore_mem>>)
      } else {
      }
      %mul3A_239 = arith.constant 4 : i32
      %mul3A_240 = arith.muli %scan3A_173, %mul3A_239 : i32
      %add3A_241 = arith.constant 3 : i32
      %add3A_242 = arith.addi %mul3A_240, %add3A_241 : i32
      %dma_wait3A_243 = arith.constant 3 : i32
      %dma_wait3A_244 = arith.constant 0 : i32
      %dma_wait3A_245 = arith.constant 0 : i32
      %dma_wait3A_246 = tpu.memref_slice %arg9[%dma_wait3A_243, %dma_wait3A_244, %dma_wait3A_245] : memref<4x128x128xbf16, #tpu.memory_space<vmem>> -> memref<1x128x128xbf16, #tpu.memory_space<vmem>>
      %dma_wait3A_247 = tpu.memref_squeeze %dma_wait3A_246 : memref<1x128x128xbf16, #tpu.memory_space<vmem>> -> memref<128x128xbf16, #tpu.memory_space<vmem>>
      %dma_wait3A_248 = arith.constant 0 : i32
      %dma_wait3A_249 = tpu.memref_slice %arg6[%add3A_242, %dma_wait3A_248] : memref<80x128xi32, #tpu.memory_space<vmem>> -> memref<1x128xi32, #tpu.memory_space<vmem>>
      %dma_wait3A_250 = tpu.memref_squeeze %dma_wait3A_249 : memref<1x128xi32, #tpu.memory_space<vmem>> -> memref<128xi32, #tpu.memory_space<vmem>>
      %dma_wait3A_251 = arith.constant 0 : i32
      %dma_wait3A_252 = arith.constant 0 : i32
      %dma_wait3A_253 = tpu.memref_slice %arg2[%dma_wait3A_251, %dma_wait3A_252] : memref<10240x128xbf16, #tpu.memory_space<hbm>> -> memref<10240x128xbf16, #tpu.memory_space<hbm>>
      tpu.wait_indirect_dma semaphore(%arg14 : memref<!tpu.dma_semaphore, #tpu.memory_space<semaphore_mem>>) src(%dma_wait3A_253 : memref<10240x128xbf16, #tpu.memory_space<hbm>>) dst(%dma_wait3A_247 : memref<128x128xbf16, #tpu.memory_space<vmem>>)
      %run_scoped3A_254 = arith.constant 3 : i32
      "tpu.region"() ({
        %run_scoped3A_262 = tpu.sem_alloc : memref<!tpu.dma_semaphore, #tpu.memory_space<semaphore_mem>>
        %dma_start3A_263 = arith.constant 0 : i32
        %dma_start3A_264 = arith.constant 0 : i32
        %dma_start3A_265 = tpu.memref_slice %arg9[%run_scoped3A_254, %dma_start3A_263, %dma_start3A_264] : memref<4x128x128xbf16, #tpu.memory_space<vmem>> -> memref<1x128x128xbf16, #tpu.memory_space<vmem>>
        %dma_start3A_266 = tpu.memref_squeeze %dma_start3A_265 : memref<1x128x128xbf16, #tpu.memory_space<vmem>> -> memref<128x128xbf16, #tpu.memory_space<vmem>>
        %dma_start3A_267 = arith.constant 0 : i32
        %dma_start3A_268 = tpu.memref_slice %arg8[%add3A_242, %dma_start3A_267] : memref<80x128xi32, #tpu.memory_space<vmem>> -> memref<1x128xi32, #tpu.memory_space<vmem>>
        %dma_start3A_269 = tpu.memref_squeeze %dma_start3A_268 : memref<1x128xi32, #tpu.memory_space<vmem>> -> memref<128xi32, #tpu.memory_space<vmem>>
        %dma_start3A_270 = arith.constant 0 : i32
        %dma_start3A_271 = arith.constant 0 : i32
        %dma_start3A_272 = tpu.memref_slice %arg10[%dma_start3A_270, %dma_start3A_271] : memref<5248x128xbf16, #tpu.memory_space<vmem_shared>> -> memref<5248x128xbf16, #tpu.memory_space<vmem_shared>>
        tpu.enqueue_indirect_dma source(%dma_start3A_266 : memref<128x128xbf16, #tpu.memory_space<vmem>>) target(%dma_start3A_272 : memref<5248x128xbf16, #tpu.memory_space<vmem_shared>>) offsets(%dma_start3A_269 : memref<128xi32, #tpu.memory_space<vmem>>) semaphore(%run_scoped3A_262 : memref<!tpu.dma_semaphore, #tpu.memory_space<semaphore_mem>>) {add = true}
        %dma_wait3A_273 = arith.constant 0 : i32
        %dma_wait3A_274 = arith.constant 0 : i32
        %dma_wait3A_275 = tpu.memref_slice %arg9[%run_scoped3A_254, %dma_wait3A_273, %dma_wait3A_274] : memref<4x128x128xbf16, #tpu.memory_space<vmem>> -> memref<1x128x128xbf16, #tpu.memory_space<vmem>>
        %dma_wait3A_276 = tpu.memref_squeeze %dma_wait3A_275 : memref<1x128x128xbf16, #tpu.memory_space<vmem>> -> memref<128x128xbf16, #tpu.memory_space<vmem>>
        %dma_wait3A_277 = arith.constant 0 : i32
        %dma_wait3A_278 = tpu.memref_slice %arg8[%add3A_242, %dma_wait3A_277] : memref<80x128xi32, #tpu.memory_space<vmem>> -> memref<1x128xi32, #tpu.memory_space<vmem>>
        %dma_wait3A_279 = tpu.memref_squeeze %dma_wait3A_278 : memref<1x128xi32, #tpu.memory_space<vmem>> -> memref<128xi32, #tpu.memory_space<vmem>>
        %dma_wait3A_280 = arith.constant 0 : i32
        %dma_wait3A_281 = arith.constant 0 : i32
        %dma_wait3A_282 = tpu.memref_slice %arg10[%dma_wait3A_280, %dma_wait3A_281] : memref<5248x128xbf16, #tpu.memory_space<vmem_shared>> -> memref<5248x128xbf16, #tpu.memory_space<vmem_shared>>
        tpu.wait_indirect_dma semaphore(%run_scoped3A_262 : memref<!tpu.dma_semaphore, #tpu.memory_space<semaphore_mem>>) src(%dma_wait3A_276 : memref<128x128xbf16, #tpu.memory_space<vmem>>) dst(%dma_wait3A_282 : memref<5248x128xbf16, #tpu.memory_space<vmem_shared>>)
        tpu.yield
      }) : () -> ()
      %add3A_255 = arith.constant 4 : i32
      %add3A_256 = arith.addi %add3A_242, %add3A_255 : i32
      %lt3A_257 = arith.constant 80 : i32
      %lt3A_258 = arith.cmpi slt, %add3A_256, %lt3A_257 : i32
      %convert_element_type3A_259 = arith.extui %lt3A_258 : i1 to i32
      %cond3A_260 = arith.constant 0 : i32
      %cond3A_261 = arith.cmpi ne, %convert_element_type3A_259, %cond3A_260 : i32
      scf.if %cond3A_261 {
        %dma_start3A_262 = arith.constant 3 : i32
        %dma_start3A_263 = arith.constant 0 : i32
        %dma_start3A_264 = arith.constant 0 : i32
        %dma_start3A_265 = tpu.memref_slice %arg9[%dma_start3A_262, %dma_start3A_263, %dma_start3A_264] : memref<4x128x128xbf16, #tpu.memory_space<vmem>> -> memref<1x128x128xbf16, #tpu.memory_space<vmem>>
        %dma_start3A_266 = tpu.memref_squeeze %dma_start3A_265 : memref<1x128x128xbf16, #tpu.memory_space<vmem>> -> memref<128x128xbf16, #tpu.memory_space<vmem>>
        %dma_start3A_267 = arith.constant 0 : i32
        %dma_start3A_268 = tpu.memref_slice %arg6[%add3A_256, %dma_start3A_267] : memref<80x128xi32, #tpu.memory_space<vmem>> -> memref<1x128xi32, #tpu.memory_space<vmem>>
        %dma_start3A_269 = tpu.memref_squeeze %dma_start3A_268 : memref<1x128xi32, #tpu.memory_space<vmem>> -> memref<128xi32, #tpu.memory_space<vmem>>
        %dma_start3A_270 = arith.constant 0 : i32
        %dma_start3A_271 = arith.constant 0 : i32
        %dma_start3A_272 = tpu.memref_slice %arg2[%dma_start3A_270, %dma_start3A_271] : memref<10240x128xbf16, #tpu.memory_space<hbm>> -> memref<10240x128xbf16, #tpu.memory_space<hbm>>
        tpu.enqueue_indirect_dma source(%dma_start3A_272 : memref<10240x128xbf16, #tpu.memory_space<hbm>>) target(%dma_start3A_266 : memref<128x128xbf16, #tpu.memory_space<vmem>>) offsets(%dma_start3A_269 : memref<128xi32, #tpu.memory_space<vmem>>) semaphore(%arg14 : memref<!tpu.dma_semaphore, #tpu.memory_space<semaphore_mem>>)
      } else {
      }
    }
    %scan3A_162 = arith.constant 20 : i32
    %barrier3A_163 = arith.constant 0 : index
    tpu.barrier barrier_id(%barrier3A_163)
    %add3A_164 = arith.constant 0 : i32
    %add3A_165 = arith.addi %mul3A_0, %add3A_164 : i32
    %run_scoped3A_166 = arith.constant 1 : i32
    "tpu.region"() ({
      %run_scoped3A_173 = tpu.sem_alloc : memref<!tpu.dma_semaphore, #tpu.memory_space<semaphore_mem>>
      %dma_start3A_174 = arith.constant 0 : i32
      %dma_start3A_175 = tpu.memref_slice %arg5[%arg0, %run_scoped3A_166, %add3A_165, %dma_start3A_174] : memref<2x2x5248x128xbf16, #tpu.memory_space<hbm>> -> memref<1x1x128x128xbf16, #tpu.memory_space<hbm>>
      %dma_start3A_176 = tpu.memref_squeeze %dma_start3A_175 : memref<1x1x128x128xbf16, #tpu.memory_space<hbm>> -> memref<128x128xbf16, #tpu.memory_space<hbm>>
      %dma_start3A_177 = arith.constant 0 : i32
      %dma_start3A_178 = tpu.memref_slice %arg10[%add3A_165, %dma_start3A_177] : memref<5248x128xbf16, #tpu.memory_space<vmem_shared>> -> memref<128x128xbf16, #tpu.memory_space<vmem_shared>>
      tpu.enqueue_dma source(%dma_start3A_178 : memref<128x128xbf16, #tpu.memory_space<vmem_shared>>) target(%dma_start3A_176 : memref<128x128xbf16, #tpu.memory_space<hbm>>) target_semaphore(%run_scoped3A_173 : memref<!tpu.dma_semaphore, #tpu.memory_space<semaphore_mem>>)
      %dma_wait3A = arith.constant 0 : i32
      %dma_wait3A_179 = tpu.memref_slice %arg5[%arg0, %run_scoped3A_166, %add3A_165, %dma_wait3A] : memref<2x2x5248x128xbf16, #tpu.memory_space<hbm>> -> memref<1x1x128x128xbf16, #tpu.memory_space<hbm>>
      %dma_wait3A_180 = tpu.memref_squeeze %dma_wait3A_179 : memref<1x1x128x128xbf16, #tpu.memory_space<hbm>> -> memref<128x128xbf16, #tpu.memory_space<hbm>>
      %dma_wait3A_181 = arith.constant 0 : i32
      %dma_wait3A_182 = tpu.memref_slice %arg10[%add3A_165, %dma_wait3A_181] : memref<5248x128xbf16, #tpu.memory_space<vmem_shared>> -> memref<128x128xbf16, #tpu.memory_space<vmem_shared>>
      tpu.wait_dma2 semaphore(%run_scoped3A_173 : memref<!tpu.dma_semaphore, #tpu.memory_space<semaphore_mem>>) src(%dma_wait3A_182 : memref<128x128xbf16, #tpu.memory_space<vmem_shared>>) dst(%dma_wait3A_180 : memref<128x128xbf16, #tpu.memory_space<hbm>>)
      tpu.yield
    }) : () -> ()
    %add3A_167 = arith.constant 128 : i32
    %add3A_168 = arith.addi %mul3A_0, %add3A_167 : i32
    %run_scoped3A_169 = arith.constant 1 : i32
    "tpu.region"() ({
      %run_scoped3A_173 = tpu.sem_alloc : memref<!tpu.dma_semaphore, #tpu.memory_space<semaphore_mem>>
      %dma_start3A_174 = arith.constant 0 : i32
      %dma_start3A_175 = tpu.memref_slice %arg5[%arg0, %run_scoped3A_169, %add3A_168, %dma_start3A_174] : memref<2x2x5248x128xbf16, #tpu.memory_space<hbm>> -> memref<1x1x128x128xbf16, #tpu.memory_space<hbm>>
      %dma_start3A_176 = tpu.memref_squeeze %dma_start3A_175 : memref<1x1x128x128xbf16, #tpu.memory_space<hbm>> -> memref<128x128xbf16, #tpu.memory_space<hbm>>
      %dma_start3A_177 = arith.constant 0 : i32
      %dma_start3A_178 = tpu.memref_slice %arg10[%add3A_168, %dma_start3A_177] : memref<5248x128xbf16, #tpu.memory_space<vmem_shared>> -> memref<128x128xbf16, #tpu.memory_space<vmem_shared>>
      tpu.enqueue_dma source(%dma_start3A_178 : memref<128x128xbf16, #tpu.memory_space<vmem_shared>>) target(%dma_start3A_176 : memref<128x128xbf16, #tpu.memory_space<hbm>>) target_semaphore(%run_scoped3A_173 : memref<!tpu.dma_semaphore, #tpu.memory_space<semaphore_mem>>)
      %dma_wait3A = arith.constant 0 : i32
      %dma_wait3A_179 = tpu.memref_slice %arg5[%arg0, %run_scoped3A_169, %add3A_168, %dma_wait3A] : memref<2x2x5248x128xbf16, #tpu.memory_space<hbm>> -> memref<1x1x128x128xbf16, #tpu.memory_space<hbm>>
      %dma_wait3A_180 = tpu.memref_squeeze %dma_wait3A_179 : memref<1x1x128x128xbf16, #tpu.memory_space<hbm>> -> memref<128x128xbf16, #tpu.memory_space<hbm>>
      %dma_wait3A_181 = arith.constant 0 : i32
      %dma_wait3A_182 = tpu.memref_slice %arg10[%add3A_168, %dma_wait3A_181] : memref<5248x128xbf16, #tpu.memory_space<vmem_shared>> -> memref<128x128xbf16, #tpu.memory_space<vmem_shared>>
      tpu.wait_dma2 semaphore(%run_scoped3A_173 : memref<!tpu.dma_semaphore, #tpu.memory_space<semaphore_mem>>) src(%dma_wait3A_182 : memref<128x128xbf16, #tpu.memory_space<vmem_shared>>) dst(%dma_wait3A_180 : memref<128x128xbf16, #tpu.memory_space<hbm>>)
      tpu.yield
    }) : () -> ()
    %add3A_170 = arith.constant 256 : i32
    %add3A_171 = arith.addi %mul3A_0, %add3A_170 : i32
    %run_scoped3A_172 = arith.constant 1 : i32
    "tpu.region"() ({
      %run_scoped3A_173 = tpu.sem_alloc : memref<!tpu.dma_semaphore, #tpu.memory_space<semaphore_mem>>
      %dma_start3A_174 = arith.constant 0 : i32
      %dma_start3A_175 = tpu.memref_slice %arg5[%arg0, %run_scoped3A_172, %add3A_171, %dma_start3A_174] : memref<2x2x5248x128xbf16, #tpu.memory_space<hbm>> -> memref<1x1x72x128xbf16, #tpu.memory_space<hbm>>
      %dma_start3A_176 = tpu.memref_squeeze %dma_start3A_175 : memref<1x1x72x128xbf16, #tpu.memory_space<hbm>> -> memref<72x128xbf16, #tpu.memory_space<hbm>>
      %dma_start3A_177 = arith.constant 0 : i32
      %dma_start3A_178 = tpu.memref_slice %arg10[%add3A_171, %dma_start3A_177] : memref<5248x128xbf16, #tpu.memory_space<vmem_shared>> -> memref<72x128xbf16, #tpu.memory_space<vmem_shared>>
      tpu.enqueue_dma source(%dma_start3A_178 : memref<72x128xbf16, #tpu.memory_space<vmem_shared>>) target(%dma_start3A_176 : memref<72x128xbf16, #tpu.memory_space<hbm>>) target_semaphore(%run_scoped3A_173 : memref<!tpu.dma_semaphore, #tpu.memory_space<semaphore_mem>>)
      %dma_wait3A = arith.constant 0 : i32
      %dma_wait3A_179 = tpu.memref_slice %arg5[%arg0, %run_scoped3A_172, %add3A_171, %dma_wait3A] : memref<2x2x5248x128xbf16, #tpu.memory_space<hbm>> -> memref<1x1x72x128xbf16, #tpu.memory_space<hbm>>
      %dma_wait3A_180 = tpu.memref_squeeze %dma_wait3A_179 : memref<1x1x72x128xbf16, #tpu.memory_space<hbm>> -> memref<72x128xbf16, #tpu.memory_space<hbm>>
      %dma_wait3A_181 = arith.constant 0 : i32
      %dma_wait3A_182 = tpu.memref_slice %arg10[%add3A_171, %dma_wait3A_181] : memref<5248x128xbf16, #tpu.memory_space<vmem_shared>> -> memref<72x128xbf16, #tpu.memory_space<vmem_shared>>
      tpu.wait_dma2 semaphore(%run_scoped3A_173 : memref<!tpu.dma_semaphore, #tpu.memory_space<semaphore_mem>>) src(%dma_wait3A_182 : memref<72x128xbf16, #tpu.memory_space<vmem_shared>>) dst(%dma_wait3A_180 : memref<72x128xbf16, #tpu.memory_space<hbm>>)
      tpu.yield
    }) : () -> ()
    return
  }
}

#map = affine_map<(d0, d1) -> (0, 0)>
#map1 = affine_map<(d0, d1) -> (0)>
module attributes {stable_mosaic.version = 14 : i64} {
  func.func @_deg_body(%arg0: i32, %arg1: i32, %arg2: memref<2560x128xi32, #tpu.memory_space<hbm>>, %arg3: memref<20480xf32, #tpu.memory_space<hbm>>, %arg4: memref<80x128xi32, #tpu.memory_space<vmem>>, %arg5: memref<128xf32, #tpu.memory_space<vmem>>, %arg6: memref<640xf32, #tpu.memory_space<vmem>>, %arg7: memref<10240xf32, #tpu.memory_space<vmem_shared>>) attributes {dimension_semantics = [#tpu.dimension_semantics<core_parallel>, #tpu.dimension_semantics<subcore_parallel>], iteration_bounds = array<i64: 2, 16>, scalar_prefetch = 0 : i64, scratch_operands = 4 : i64, tpu.core_type = #tpu.core_type<sc_vector_subcore>, window_params = [{transform_indices = #map}, {transform_indices = #map1}]} {
    %mul3A = arith.constant 640 : i32
    %mul3A_0 = arith.muli %arg1, %mul3A : i32
    %scan3A = arith.constant 0 : i32
    %scan3A_1 = arith.constant 0 : i32
    %scan3A_2 = arith.constant 40 : i32
    %scan3A_3 = arith.addi %scan3A_1, %scan3A_2 : i32
    %scan3A_4 = arith.constant 1 : i32
    scf.for %scan3A_26 = %scan3A_1 to %scan3A_3 step %scan3A_4  : i32 {
      %broadcast_in_dim3A = arith.constant 0.000000e+00 : f32
      %broadcast_in_dim3A_27 = vector.broadcast %broadcast_in_dim3A : f32 to vector<16xf32>
      %mul3A_28 = arith.constant 16 : i32
      %mul3A_29 = arith.muli %scan3A_26, %mul3A_28 : i32
      %swap3A = arith.index_cast %mul3A_29 : i32 to index
      %swap3A_30 = tpu.vector_load %arg6[%swap3A] {strides = array<i32>} : memref<640xf32, #tpu.memory_space<vmem>>, vector<16xf32>,
      %swap3A_31 = vector.shape_cast %swap3A_30 : vector<16xf32> to vector<16xf32>
      %swap3A_32 = vector.shape_cast %broadcast_in_dim3A_27 : vector<16xf32> to vector<16xf32>
      tpu.vector_store %arg6[%swap3A], %swap3A_32 {strides = array<i32>} : memref<640xf32, #tpu.memory_space<vmem>>, vector<16xf32>,
    }
    %scan3A_5 = arith.constant 40 : i32
    "tpu.region"() ({
      %run_scoped3A = tpu.sem_alloc : memref<!tpu.dma_semaphore, #tpu.memory_space<semaphore_mem>>
      %dma_start3A = tpu.memref_slice %arg7[%mul3A_0] : memref<10240xf32, #tpu.memory_space<vmem_shared>> -> memref<640xf32, #tpu.memory_space<vmem_shared>>
      %dma_start3A_26 = tpu.memref_slice %arg7[%mul3A_0] : memref<10240xf32, #tpu.memory_space<vmem_shared>> -> memref<640xf32, #tpu.memory_space<vmem_shared>>
      tpu.enqueue_dma source(%arg6 : memref<640xf32, #tpu.memory_space<vmem>>) target(%dma_start3A_26 : memref<640xf32, #tpu.memory_space<vmem_shared>>) target_semaphore(%run_scoped3A : memref<!tpu.dma_semaphore, #tpu.memory_space<semaphore_mem>>)
      %dma_wait3A = tpu.memref_slice %arg7[%mul3A_0] : memref<10240xf32, #tpu.memory_space<vmem_shared>> -> memref<640xf32, #tpu.memory_space<vmem_shared>>
      %dma_wait3A_27 = tpu.memref_slice %arg7[%mul3A_0] : memref<10240xf32, #tpu.memory_space<vmem_shared>> -> memref<640xf32, #tpu.memory_space<vmem_shared>>
      tpu.wait_dma2 semaphore(%run_scoped3A : memref<!tpu.dma_semaphore, #tpu.memory_space<semaphore_mem>>) src(%arg6 : memref<640xf32, #tpu.memory_space<vmem>>) dst(%dma_wait3A_27 : memref<640xf32, #tpu.memory_space<vmem_shared>>)
      tpu.yield
    }) : () -> ()
    %scan3A_6 = arith.constant 0 : i32
    %scan3A_7 = arith.constant 0 : i32
    %scan3A_8 = arith.constant 8 : i32
    %scan3A_9 = arith.addi %scan3A_7, %scan3A_8 : i32
    %scan3A_10 = arith.constant 1 : i32
    scf.for %scan3A_26 = %scan3A_7 to %scan3A_9 step %scan3A_10  : i32 {
      %broadcast_in_dim3A = arith.constant 1.000000e+00 : f32
      %broadcast_in_dim3A_27 = vector.broadcast %broadcast_in_dim3A : f32 to vector<16xf32>
      %mul3A_28 = arith.constant 16 : i32
      %mul3A_29 = arith.muli %scan3A_26, %mul3A_28 : i32
      %swap3A = arith.index_cast %mul3A_29 : i32 to index
      %swap3A_30 = tpu.vector_load %arg5[%swap3A] {strides = array<i32>} : memref<128xf32, #tpu.memory_space<vmem>>, vector<16xf32>,
      %swap3A_31 = vector.shape_cast %swap3A_30 : vector<16xf32> to vector<16xf32>
      %swap3A_32 = vector.shape_cast %broadcast_in_dim3A_27 : vector<16xf32> to vector<16xf32>
      tpu.vector_store %arg5[%swap3A], %swap3A_32 {strides = array<i32>} : memref<128xf32, #tpu.memory_space<vmem>>, vector<16xf32>,
    }
    %scan3A_11 = arith.constant 8 : i32
    %mul3A_12 = arith.constant 1280 : i32
    %mul3A_13 = arith.muli %arg0, %mul3A_12 : i32
    %mul3A_14 = arith.constant 80 : i32
    %mul3A_15 = arith.muli %arg1, %mul3A_14 : i32
    %add3A = arith.addi %mul3A_13, %mul3A_15 : i32
    "tpu.region"() ({
      %run_scoped3A = tpu.sem_alloc : memref<!tpu.dma_semaphore, #tpu.memory_space<semaphore_mem>>
      %dma_start3A = arith.constant 0 : i32
      %dma_start3A_26 = tpu.memref_slice %arg2[%add3A, %dma_start3A] : memref<2560x128xi32, #tpu.memory_space<hbm>> -> memref<80x128xi32, #tpu.memory_space<hbm>>
      %dma_start3A_27 = arith.constant 0 : i32
      %dma_start3A_28 = tpu.memref_slice %arg2[%add3A, %dma_start3A_27] : memref<2560x128xi32, #tpu.memory_space<hbm>> -> memref<80x128xi32, #tpu.memory_space<hbm>>
      tpu.enqueue_dma source(%dma_start3A_28 : memref<80x128xi32, #tpu.memory_space<hbm>>) target(%arg4 : memref<80x128xi32, #tpu.memory_space<vmem>>) target_semaphore(%run_scoped3A : memref<!tpu.dma_semaphore, #tpu.memory_space<semaphore_mem>>)
      %dma_wait3A = arith.constant 0 : i32
      %dma_wait3A_29 = tpu.memref_slice %arg2[%add3A, %dma_wait3A] : memref<2560x128xi32, #tpu.memory_space<hbm>> -> memref<80x128xi32, #tpu.memory_space<hbm>>
      %dma_wait3A_30 = arith.constant 0 : i32
      %dma_wait3A_31 = tpu.memref_slice %arg2[%add3A, %dma_wait3A_30] : memref<2560x128xi32, #tpu.memory_space<hbm>> -> memref<80x128xi32, #tpu.memory_space<hbm>>
      tpu.wait_dma2 semaphore(%run_scoped3A : memref<!tpu.dma_semaphore, #tpu.memory_space<semaphore_mem>>) src(%dma_wait3A_31 : memref<80x128xi32, #tpu.memory_space<hbm>>) dst(%arg4 : memref<80x128xi32, #tpu.memory_space<vmem>>)
      tpu.yield
    }) : () -> ()
    %barrier3A = arith.constant 0 : index
    tpu.barrier barrier_id(%barrier3A)
    %scan3A_16 = arith.constant 0 : i32
    %scan3A_17 = arith.constant 0 : i32
    %scan3A_18 = arith.constant 80 : i32
    %scan3A_19 = arith.addi %scan3A_17, %scan3A_18 : i32
    %scan3A_20 = arith.constant 1 : i32
    scf.for %scan3A_26 = %scan3A_17 to %scan3A_19 step %scan3A_20  : i32 {
      "tpu.region"() ({
        %run_scoped3A = tpu.sem_alloc : memref<!tpu.dma_semaphore, #tpu.memory_space<semaphore_mem>>
        %dma_start3A = arith.constant 0 : i32
        %dma_start3A_27 = tpu.memref_slice %arg4[%scan3A_26, %dma_start3A] : memref<80x128xi32, #tpu.memory_space<vmem>> -> memref<1x128xi32, #tpu.memory_space<vmem>>
        %dma_start3A_28 = tpu.memref_squeeze %dma_start3A_27 : memref<1x128xi32, #tpu.memory_space<vmem>> -> memref<128xi32, #tpu.memory_space<vmem>>
        %dma_start3A_29 = arith.constant 0 : i32
        %dma_start3A_30 = tpu.memref_slice %arg7[%dma_start3A_29] : memref<10240xf32, #tpu.memory_space<vmem_shared>> -> memref<10240xf32, #tpu.memory_space<vmem_shared>>
        tpu.enqueue_indirect_dma source(%arg5 : memref<128xf32, #tpu.memory_space<vmem>>) target(%dma_start3A_30 : memref<10240xf32, #tpu.memory_space<vmem_shared>>) offsets(%dma_start3A_28 : memref<128xi32, #tpu.memory_space<vmem>>) semaphore(%run_scoped3A : memref<!tpu.dma_semaphore, #tpu.memory_space<semaphore_mem>>) {add = true}
        %dma_wait3A = arith.constant 0 : i32
        %dma_wait3A_31 = tpu.memref_slice %arg4[%scan3A_26, %dma_wait3A] : memref<80x128xi32, #tpu.memory_space<vmem>> -> memref<1x128xi32, #tpu.memory_space<vmem>>
        %dma_wait3A_32 = tpu.memref_squeeze %dma_wait3A_31 : memref<1x128xi32, #tpu.memory_space<vmem>> -> memref<128xi32, #tpu.memory_space<vmem>>
        %dma_wait3A_33 = arith.constant 0 : i32
        %dma_wait3A_34 = tpu.memref_slice %arg7[%dma_wait3A_33] : memref<10240xf32, #tpu.memory_space<vmem_shared>> -> memref<10240xf32, #tpu.memory_space<vmem_shared>>
        tpu.wait_indirect_dma semaphore(%run_scoped3A : memref<!tpu.dma_semaphore, #tpu.memory_space<semaphore_mem>>) src(%arg5 : memref<128xf32, #tpu.memory_space<vmem>>) dst(%dma_wait3A_34 : memref<10240xf32, #tpu.memory_space<vmem_shared>>)
        tpu.yield
      }) : () -> ()
    }
    %scan3A_21 = arith.constant 80 : i32
    %barrier3A_22 = arith.constant 0 : index
    tpu.barrier barrier_id(%barrier3A_22)
    %mul3A_23 = arith.constant 10240 : i32
    %mul3A_24 = arith.muli %arg0, %mul3A_23 : i32
    %add3A_25 = arith.addi %mul3A_24, %mul3A_0 : i32
    "tpu.region"() ({
      %run_scoped3A = tpu.sem_alloc : memref<!tpu.dma_semaphore, #tpu.memory_space<semaphore_mem>>
      %dma_start3A = tpu.memref_slice %arg3[%add3A_25] : memref<20480xf32, #tpu.memory_space<hbm>> -> memref<640xf32, #tpu.memory_space<hbm>>
      %dma_start3A_26 = tpu.memref_slice %arg7[%mul3A_0] : memref<10240xf32, #tpu.memory_space<vmem_shared>> -> memref<640xf32, #tpu.memory_space<vmem_shared>>
      tpu.enqueue_dma source(%dma_start3A_26 : memref<640xf32, #tpu.memory_space<vmem_shared>>) target(%dma_start3A : memref<640xf32, #tpu.memory_space<hbm>>) target_semaphore(%run_scoped3A : memref<!tpu.dma_semaphore, #tpu.memory_space<semaphore_mem>>)
      %dma_wait3A = tpu.memref_slice %arg3[%add3A_25] : memref<20480xf32, #tpu.memory_space<hbm>> -> memref<640xf32, #tpu.memory_space<hbm>>
      %dma_wait3A_27 = tpu.memref_slice %arg7[%mul3A_0] : memref<10240xf32, #tpu.memory_space<vmem_shared>> -> memref<640xf32, #tpu.memory_space<vmem_shared>>
      tpu.wait_dma2 semaphore(%run_scoped3A : memref<!tpu.dma_semaphore, #tpu.memory_space<semaphore_mem>>) src(%dma_wait3A_27 : memref<640xf32, #tpu.memory_space<vmem_shared>>) dst(%dma_wait3A : memref<640xf32, #tpu.memory_space<hbm>>)
      tpu.yield
    }) : () -> ()
    return
  }
}

module attributes {stable_mosaic.version = 14 : i64} {
  func.func @_mm_body(%arg0: i32, %arg1: memref<640x128xf32, #tpu.memory_space<vmem>>, %arg2: memref<128x128xf32, #tpu.memory_space<vmem>>, %arg3: memref<640x128xf32, #tpu.memory_space<vmem>>, %arg4: memref<640x128xbf16, #tpu.memory_space<vmem>>, %arg5: memref<640x128xf32, #tpu.memory_space<vmem>>) attributes {dimension_semantics = [#tpu.dimension_semantics<arbitrary>], iteration_bounds = array<i64: 16>, scalar_prefetch = 0 : i64, scratch_operands = 0 : i64, tpu.core_type = #tpu.core_type<tc>, window_params = [{transform_indices = @transform_0, window_bounds = array<i64: 640, 128>}, {pipeline_mode = #tpu.pipeline_mode<synchronous>, transform_indices = @transform_1, window_bounds = array<i64: 128, 128>}, {transform_indices = @transform_2, window_bounds = array<i64: 640, 128>}, {transform_indices = @transform_3, window_bounds = array<i64: 640, 128>}, {transform_indices = @transform_4, window_bounds = array<i64: 640, 128>}]} {
    %get3A = arith.constant 0 : index
    %get3A_0 = arith.constant 0 : index
    %get3A_1 = vector.load %arg1[%get3A, %get3A_0] : memref<640x128xf32, #tpu.memory_space<vmem>>, vector<640x128xf32>
    %get3A_2 = arith.constant 0 : index
    %get3A_3 = arith.constant 0 : index
    %get3A_4 = vector.load %arg2[%get3A_2, %get3A_3] : memref<128x128xf32, #tpu.memory_space<vmem>>, vector<128x128xf32>
    %dot_general3A = arith.constant dense<0.000000e+00> : vector<640x128xf32>
    %dot_general3A_5 = tpu.matmul %get3A_1, %get3A_4, %dot_general3A {dimension_numbers = #tpu.dot_dimension_numbers<[1], [0], [0], [1], [0, 0, 1, 1], [], []>, transpose_lhs_hint = false} : vector<640x128xf32>, vector<128x128xf32>, vector<640x128xf32> -> vector<640x128xf32>
    %get3A_6 = arith.constant 0 : index
    %get3A_7 = arith.constant 0 : index
    %get3A_8 = vector.load %arg3[%get3A_6, %get3A_7] : memref<640x128xf32, #tpu.memory_space<vmem>>, vector<640x128xf32>
    %mul3A = arith.mulf %dot_general3A_5, %get3A_8 : vector<640x128xf32>
    %convert_element_type3A = arith.truncf %mul3A : vector<640x128xf32> to vector<640x128xbf16>
    %swap3A = arith.constant 0 : index
    %swap3A_9 = arith.constant 0 : index
    %swap3A_10 = vector.load %arg4[%swap3A, %swap3A_9] : memref<640x128xbf16, #tpu.memory_space<vmem>>, vector<640x128xbf16>
    tpu.vector_store %arg4[%swap3A, %swap3A_9], %convert_element_type3A {strides = array<i32>} : memref<640x128xbf16, #tpu.memory_space<vmem>>, vector<640x128xbf16>,
    %swap3A_11 = arith.constant 0 : index
    %swap3A_12 = arith.constant 0 : index
    %swap3A_13 = vector.load %arg5[%swap3A_11, %swap3A_12] : memref<640x128xf32, #tpu.memory_space<vmem>>, vector<640x128xf32>
    tpu.vector_store %arg5[%swap3A_11, %swap3A_12], %mul3A {strides = array<i32>} : memref<640x128xf32, #tpu.memory_space<vmem>>, vector<640x128xf32>,
    return
  }
  func.func @transform_0(%arg0: i32) -> (i32, i32) {
    %c0_i32 = arith.constant 0 : i32
    %c0_i32_0 = arith.constant 0 : i32
    return %arg0, %c0_i32 : i32, i32
  }
  func.func @transform_1(%arg0: i32) -> (i32, i32) {
    %c0_i32 = arith.constant 0 : i32
    %c0_i32_0 = arith.constant 0 : i32
    %c0_i32_1 = arith.constant 0 : i32
    return %c0_i32, %c0_i32_0 : i32, i32
  }
  func.func @transform_2(%arg0: i32) -> (i32, i32) {
    %c0_i32 = arith.constant 0 : i32
    %c0_i32_0 = arith.constant 0 : i32
    return %arg0, %c0_i32 : i32, i32
  }
  func.func @transform_3(%arg0: i32) -> (i32, i32) {
    %c0_i32 = arith.constant 0 : i32
    %c0_i32_0 = arith.constant 0 : i32
    return %arg0, %c0_i32 : i32, i32
  }
  func.func @transform_4(%arg0: i32) -> (i32, i32) {
    %c0_i32 = arith.constant 0 : i32
    %c0_i32_0 = arith.constant 0 : i32
    return %arg0, %c0_i32 : i32, i32
  }
}

module attributes {stable_mosaic.version = 14 : i64} {
  func.func @_comb_body(%arg0: i32, %arg1: memref<2x1x640x128xbf16, #tpu.memory_space<vmem>>, %arg2: memref<640x128xf32, #tpu.memory_space<vmem>>, %arg3: memref<640x128xf32, #tpu.memory_space<vmem>>, %arg4: memref<1x128xf32, #tpu.memory_space<vmem>>, %arg5: memref<1x128xf32, #tpu.memory_space<vmem>>, %arg6: memref<640x128xf32, #tpu.memory_space<vmem>>) attributes {dimension_semantics = [#tpu.dimension_semantics<arbitrary>], iteration_bounds = array<i64: 16>, scalar_prefetch = 0 : i64, scratch_operands = 0 : i64, tpu.core_type = #tpu.core_type<tc>, window_params = [{transform_indices = @transform_0, window_bounds = array<i64: 2, 1, 640, 128>}, {transform_indices = @transform_1, window_bounds = array<i64: 640, 128>}, {transform_indices = @transform_2, window_bounds = array<i64: 640, 128>}, {pipeline_mode = #tpu.pipeline_mode<synchronous>, transform_indices = @transform_3, window_bounds = array<i64: 1, 128>}, {pipeline_mode = #tpu.pipeline_mode<synchronous>, transform_indices = @transform_4, window_bounds = array<i64: 1, 128>}, {transform_indices = @transform_5, window_bounds = array<i64: 640, 128>}]} {
    %get3A = arith.constant 0 : index
    %get3A_0 = arith.constant 0 : index
    %get3A_1 = arith.constant 0 : index
    %get3A_2 = arith.constant 0 : index
    %get3A_3 = vector.load %arg1[%get3A, %get3A_0, %get3A_1, %get3A_2] : memref<2x1x640x128xbf16, #tpu.memory_space<vmem>>, vector<1x1x640x128xbf16>
    %get3A_4 = vector.shape_cast %get3A_3 : vector<1x1x640x128xbf16> to vector<640x128xbf16>
    %convert_element_type3A = arith.extf %get3A_4 : vector<640x128xbf16> to vector<640x128xf32>
    %get3A_5 = arith.constant 1 : index
    %get3A_6 = arith.constant 0 : index
    %get3A_7 = arith.constant 0 : index
    %get3A_8 = arith.constant 0 : index
    %get3A_9 = vector.load %arg1[%get3A_5, %get3A_6, %get3A_7, %get3A_8] : memref<2x1x640x128xbf16, #tpu.memory_space<vmem>>, vector<1x1x640x128xbf16>
    %get3A_10 = vector.shape_cast %get3A_9 : vector<1x1x640x128xbf16> to vector<640x128xbf16>
    %convert_element_type3A_11 = arith.extf %get3A_10 : vector<640x128xbf16> to vector<640x128xf32>
    %add3A = arith.addf %convert_element_type3A, %convert_element_type3A_11 : vector<640x128xf32>
    %get3A_12 = arith.constant 0 : index
    %get3A_13 = arith.constant 0 : index
    %get3A_14 = vector.load %arg3[%get3A_12, %get3A_13] : memref<640x128xf32, #tpu.memory_space<vmem>>, vector<640x128xf32>
    %get3A_15 = arith.constant 0 : index
    %get3A_16 = arith.constant 0 : index
    %get3A_17 = vector.load %arg2[%get3A_15, %get3A_16] : memref<640x128xf32, #tpu.memory_space<vmem>>, vector<640x128xf32>
    %add3A_18 = arith.addf %add3A, %get3A_17 : vector<640x128xf32>
    %mul3A = arith.mulf %get3A_14, %add3A_18 : vector<640x128xf32>
    %get3A_19 = arith.constant 0 : index
    %get3A_20 = arith.constant 0 : index
    %get3A_21 = vector.load %arg4[%get3A_19, %get3A_20] : memref<1x128xf32, #tpu.memory_space<vmem>>, vector<1x128xf32>
    %add3A_22 = vector.broadcast %get3A_21 : vector<1x128xf32> to vector<640x128xf32>
    %add3A_23 = arith.addf %mul3A, %add3A_22 : vector<640x128xf32>
    %get3A_24 = arith.constant 0 : index
    %get3A_25 = arith.constant 0 : index
    %get3A_26 = vector.load %arg5[%get3A_24, %get3A_25] : memref<1x128xf32, #tpu.memory_space<vmem>>, vector<1x128xf32>
    %gt3A = arith.constant 0.000000e+00 : f32
    %gt3A_27 = vector.broadcast %gt3A : f32 to vector<1x128xf32>
    %gt3A_28 = arith.cmpf ogt, %get3A_26, %gt3A_27 : vector<1x128xf32>
    %max3A = arith.constant 0.000000e+00 : f32
    %max3A_29 = vector.broadcast %max3A : f32 to vector<640x128xf32>
    %max3A_30 = arith.maximumf %add3A_23, %max3A_29 : vector<640x128xf32>
    %broadcast_in_dim3A = vector.shape_cast %gt3A_28 : vector<1x128xi1> to vector<1x128xi1>
    %broadcast_in_dim3A_31 = vector.broadcast %broadcast_in_dim3A : vector<1x128xi1> to vector<640x128xi1>
    %select_n3A = arith.select %broadcast_in_dim3A_31, %max3A_30, %add3A_23 : vector<640x128xi1>, vector<640x128xf32>
    %swap3A = arith.constant 0 : index
    %swap3A_32 = arith.constant 0 : index
    %swap3A_33 = vector.load %arg6[%swap3A, %swap3A_32] : memref<640x128xf32, #tpu.memory_space<vmem>>, vector<640x128xf32>
    tpu.vector_store %arg6[%swap3A, %swap3A_32], %select_n3A {strides = array<i32>} : memref<640x128xf32, #tpu.memory_space<vmem>>, vector<640x128xf32>,
    return
  }
  func.func @transform_0(%arg0: i32) -> (i32, i32, i32, i32) {
    %jit3A = arith.constant 8 : i32
    %div3A = arith.divsi %arg0, %jit3A : i32
    %sign3A = arith.constant 0 : i32
    %sign3A_0 = arith.cmpi sgt, %arg0, %sign3A : i32
    %sign3A_1 = arith.extui %sign3A_0 : i1 to i32
    %sign3A_2 = arith.constant 0 : i32
    %sign3A_3 = arith.cmpi slt, %arg0, %sign3A_2 : i32
    %sign3A_4 = arith.extui %sign3A_3 : i1 to i32
    %sign3A_5 = arith.subi %sign3A_1, %sign3A_4 : i32
    %sign3A_6 = arith.constant 0 : i32
    %sign3A_7 = arith.cmpi sgt, %jit3A, %sign3A_6 : i32
    %sign3A_8 = arith.extui %sign3A_7 : i1 to i32
    %sign3A_9 = arith.constant 0 : i32
    %sign3A_10 = arith.cmpi slt, %jit3A, %sign3A_9 : i32
    %sign3A_11 = arith.extui %sign3A_10 : i1 to i32
    %sign3A_12 = arith.subi %sign3A_8, %sign3A_11 : i32
    %ne3A = arith.cmpi ne, %sign3A_5, %sign3A_12 : i32
    %rem3A = arith.remsi %arg0, %jit3A : i32
    %ne3A_13 = arith.constant 0 : i32
    %ne3A_14 = arith.cmpi ne, %rem3A, %ne3A_13 : i32
    %and3A = arith.andi %ne3A, %ne3A_14 : i1
    %sub3A = arith.constant 1 : i32
    %sub3A_15 = arith.subi %div3A, %sub3A : i32
    %select_n3A = arith.select %and3A, %sub3A_15, %div3A : i32
    %jit3A_16 = arith.constant 8 : i32
    %eq3A = arith.constant 0 : i32
    %eq3A_17 = arith.cmpi eq, %jit3A_16, %eq3A : i32
    %jit3A_18 = arith.constant 1 : i32
    %select_n3A_19 = arith.select %eq3A_17, %jit3A_18, %jit3A_16 : i32
    %rem3A_20 = arith.remsi %arg0, %select_n3A_19 : i32
    %ne3A_21 = arith.constant 0 : i32
    %ne3A_22 = arith.cmpi ne, %rem3A_20, %ne3A_21 : i32
    %lt3A = arith.constant 0 : i32
    %lt3A_23 = arith.cmpi slt, %rem3A_20, %lt3A : i32
    %lt3A_24 = arith.constant 0 : i32
    %lt3A_25 = arith.cmpi slt, %select_n3A_19, %lt3A_24 : i32
    %ne3A_26 = arith.xori %lt3A_23, %lt3A_25 : i1
    %and3A_27 = arith.andi %ne3A_26, %ne3A_22 : i1
    %add3A = arith.addi %rem3A_20, %select_n3A_19 : i32
    %select_n3A_28 = arith.select %and3A_27, %add3A, %rem3A_20 : i32
    %c0_i32 = arith.constant 0 : i32
    %c0_i32_29 = arith.constant 0 : i32
    %c0_i32_30 = arith.constant 0 : i32
    return %c0_i32, %select_n3A, %select_n3A_28, %c0_i32_29 : i32, i32, i32, i32
  }
  func.func @transform_1(%arg0: i32) -> (i32, i32) {
    %c0_i32 = arith.constant 0 : i32
    %c0_i32_0 = arith.constant 0 : i32
    return %arg0, %c0_i32 : i32, i32
  }
  func.func @transform_2(%arg0: i32) -> (i32, i32) {
    %c0_i32 = arith.constant 0 : i32
    %c0_i32_0 = arith.constant 0 : i32
    return %arg0, %c0_i32 : i32, i32
  }
  func.func @transform_3(%arg0: i32) -> (i32, i32) {
    %c0_i32 = arith.constant 0 : i32
    %c0_i32_0 = arith.constant 0 : i32
    %c0_i32_1 = arith.constant 0 : i32
    return %c0_i32, %c0_i32_0 : i32, i32
  }
  func.func @transform_4(%arg0: i32) -> (i32, i32) {
    %c0_i32 = arith.constant 0 : i32
    %c0_i32_0 = arith.constant 0 : i32
    %c0_i32_1 = arith.constant 0 : i32
    return %c0_i32, %c0_i32_0 : i32, i32
  }
  func.func @transform_5(%arg0: i32) -> (i32, i32) {
    %c0_i32 = arith.constant 0 : i32
    %c0_i32_0 = arith.constant 0 : i32
    return %arg0, %c0_i32 : i32, i32
  }
}

</mosaic_0001>

<sc_bundles>
// kernel: closed_call.29.cloned.1.call-start
scs
__scs_entry_jumppad:
0x0: {  	(pc) =	sbr.rel $0x88, $3  }
0x1: {  	(tag) =	ssettag $0x0;
	lr =	simm.s32 $0x1  }
0x2: {  	[smem:$0x3F9B] =	sst lr;
	_ =	strace $0xD0000000  }
0x3: {  	_ = 	snop  }
0x4: {  	_ = 	snop  }
0x5: {  	_ = 	snop  }
0x6: {  	_ = 	snop  }
0x7: {  	_ = 	snop  }
__scs_overlays_trampoline_lowered:
0x8: {  	[smem:$0x3FAA] =	sst s0  }
0x9: {  	[smem:$0x3FAB] =	sst s1  }
0xa: {  	[smem:$0x3FAC] =	sst s2  }
0xb: {  	[smem:$0x3FAD] =	sst s3  }
0xc: {  	[smem:$0x3FAE] =	sst s4  }
0xd: {  	[smem:$0x3FAF] =	sst s5  }
0xe: {  	[smem:$0x3FB0] =	sst s6  }
0xf: {  	[smem:$0x3FB1] =	sst s7  }
0x10: {  	[smem:$0x3FB2] =	sst s8  }
0x11: {  	[smem:$0x3FB3] =	sst s9;
	s0 =	simm.s32 @!p0 $0x0  }
0x12: {  	s1 =	sld [smem:$0x3F99];
	s0 =	simm.s32 @p0 $0x1  }
0x13: {  	[smem:$0x3FB4] =	sst s0;
	s0 =	simm.s32 @!p1 $0x0  }
0x14: {  	s2 =	sld [smem:$0x3F98];
	s0 =	simm.s32 @p1 $0x1  }
0x15: {  	[smem:$0x3FB5] =	sst s0;
	s0 =	simm.s32 @!p2 $0x0  }
0x16: {  	s3 =	sld [smem:$0x3FDB];
	s0 =	simm.s32 @p2 $0x1  }
0x17: {  	s4 =	simm.s32 $0x1BF5;
	[smem:$0x3FB7] =	sst s0  }
0x18: {  	s0 =	sld [smem:$0x3F9A];
	_ =	swait.ge [sflag:s4], $0x0  }
0x19: {  	s7 =	sld [smem:$0x3F9B]  }
0x1a: {  	s8 =	sadd.s32 $0xFFFFE003, lr  }
0x1b: {  	s9 =	sadd.s32 $0xFFFFFEF7, lr;
	s5 =	simm.s32 $0xFFFFFFFF;
	p2 =	slt.u32 s8, $0xFFFFF086  }
0x1c: {  	p1 =	slt.u32 s9, $0xF7A;
	s5 =	simm.s32 @!p2 $0x0  }
0x1d: {  	s5 =	simm.s32 @p1 $0x1;
	p0 =	seq.s32 s7, s2  }
0x1e: {  	s7 =	smul.u32 @!p0 $0xF7A, s2;
	p2 =	seq.s32 @!p0 s5, $0x0  }
0x1f: {  	s9 =	smul.u32 $0xF7A, s1;
	s8 =	simm.s32 @!p0 $0x1BF5;
	p2 =	por !p2, p0  }
0x20: {  	[sflag:s8] =	ssyncset.s32 @!p0 $0xFFFFF086;
	s6 =	sadd.s32 @!p0 s3, s7;
	s7 =	simm.s32 @!p0 $0x108  }
0x21: {  	s3 =	sadd.s32 s3, s9;
	s6 =	sadd.s32 @!p0 $0x88, s6;
	s7 =	simm.s32 @p2 $0x1082  }
0x22: {  	[simem:s7], [sflag:s8] =	dma.local @!p0 [hbm:s6], $0xF7A  }
0x23: {  	s9 =	sor.u32 $0xD0000000, s2;
	s6 =	simm.s32 $0x108;
	_ =	swait.ge @!p0 [sflag:s8], $0x0  }
0x24: {  	s3 =	sadd.s32 $0x88, s3;
	s6 =	simm.s32 @!p1 $0x1082;
	[sflag:s4] =	ssyncset.s32 $0xFFFFF086  }
0x25: {  	[simem:s6], [sflag:s4] =	dma.local [hbm:s3], $0xF7A  }
0x26: {  	[smem:$0x3F9B] =	sst s1;
	(tag) =	ssettag s2;
	_ =	strace s9  }
0x27: {  	s1 =	sld [smem:$0x3FAB]  }
0x28: {  	s2 =	sld [smem:$0x3FAC]  }
0x29: {  	s4 =	sld [smem:$0x3FAE]  }
0x2a: {  	p0 =	seq.s32 s5, $0x0;
	s5 =	sld [smem:$0x3FAF]  }
0x2b: {  	s6 =	sld [smem:$0x3FB0]  }
0x2c: {  	s7 =	sld [smem:$0x3FB1]  }
0x2d: {  	s3 =	simm.s32 $0x108;
	s8 =	sld [smem:$0x3FB2]  }
0x2e: {  	s3 =	simm.s32 @!p0 $0x1082;
	s9 =	sld [smem:$0x3FB3]  }
0x2f: {  	lr =	sadd.s32 s0, s3;
	s0 =	sld [smem:$0x3FAA]  }
0x30: {  	s3 =	sld [smem:$0x3FAD]  }
0x31: {  	[smem:$0x3FB6] =	sst s10  }
0x32: {  	s10 =	sld [smem:$0x3FB4];
	_ =	sdelay $0x3  }
0x33: {  	p0 =	seq.s32 s10, $0x1;
	s10 =	sld [smem:$0x3FB6];
	_ =	sdelay $0x3  }
0x34: {  	[smem:$0x3FB6] =	sst s10  }
0x35: {  	s10 =	sld [smem:$0x3FB5];
	_ =	sdelay $0x3  }
0x36: {  	p1 =	seq.s32 s10, $0x1;
	s10 =	sld [smem:$0x3FB6];
	_ =	sdelay $0x3  }
0x37: {  	[smem:$0x3FB6] =	sst s10  }
0x38: {  	s10 =	sld [smem:$0x3FB7]  }
0x39: {  	_ = 	snop;
	(pc) =	sbr.ind lr, $3  }
0x3a: {  	_ = 	snop  }
0x3b: {  	_ = 	snop  }
0x3c: {  	p2 =	seq.s32 s10, $0x1;
	s10 =	sld [smem:$0x3FB6]  }
0x3d: {  	_ =	shalt  }
0x3e: {  	_ =	shalt  }
0x3f: {  	_ =	shalt  }
0x40: {  	_ =	shalt  }
0x41: {  	_ =	shalt  }
0x42: {  	_ =	shalt  }
0x43: {  	_ =	shalt  }
0x44: {  	_ =	shalt  }
0x45: {  	_ =	shalt  }
0x46: {  	_ =	shalt  }
0x47: {  	_ =	shalt  }
0x48: {  	_ =	shalt  }
0x49: {  	_ =	shalt  }
0x4a: {  	_ =	shalt  }
0x4b: {  	_ =	shalt  }
0x4c: {  	_ =	shalt  }
0x4d: {  	_ =	shalt  }
0x4e: {  	_ =	shalt  }
0x4f: {  	_ =	shalt  }
0x50: {  	_ =	shalt  }
0x51: {  	_ =	shalt  }
0x52: {  	_ =	shalt  }
0x53: {  	_ =	shalt  }
0x54: {  	_ =	shalt  }
0x55: {  	_ =	shalt  }
0x56: {  	_ =	shalt  }
0x57: {  	_ =	shalt  }
0x58: {  	_ =	shalt  }
0x59: {  	_ =	shalt  }
0x5a: {  	_ =	shalt  }
0x5b: {  	_ =	shalt  }
0x5c: {  	_ =	shalt  }
0x5d: {  	_ =	shalt  }
0x5e: {  	_ =	shalt  }
0x5f: {  	_ =	shalt  }
0x60: {  	_ =	shalt  }
0x61: {  	_ =	shalt  }
0x62: {  	_ =	shalt  }
0x63: {  	_ =	shalt  }
0x64: {  	_ =	shalt  }
0x65: {  	_ =	shalt  }
0x66: {  	_ =	shalt  }
0x67: {  	_ =	shalt  }
0x68: {  	_ =	shalt  }
0x69: {  	_ =	shalt  }
0x6a: {  	_ =	shalt  }
0x6b: {  	_ =	shalt  }
0x6c: {  	_ =	shalt  }
0x6d: {  	_ =	shalt  }
0x6e: {  	_ =	shalt  }
0x6f: {  	_ =	shalt  }
0x70: {  	_ =	shalt  }
0x71: {  	_ =	shalt  }
0x72: {  	_ =	shalt  }
0x73: {  	_ =	shalt  }
0x74: {  	_ =	shalt  }
0x75: {  	_ =	shalt  }
0x76: {  	_ =	shalt  }
0x77: {  	_ =	shalt  }
0x78: {  	_ =	shalt  }
0x79: {  	_ =	shalt  }
0x7a: {  	_ =	shalt  }
0x7b: {  	_ =	shalt  }
0x7c: {  	_ =	shalt  }
0x7d: {  	_ =	shalt  }
0x7e: {  	_ =	shalt  }
0x7f: {  	_ =	shalt  }
0x80: {  	_ =	shalt  }
0x81: {  	_ =	shalt  }
0x82: {  	_ =	shalt  }
0x83: {  	_ =	shalt  }
0x84: {  	_ =	shalt  }
0x85: {  	_ =	shalt  }
0x86: {  	_ =	shalt  }
0x87: {  	_ =	shalt  }
.Lfunc_end0:
.L_simem_size_0:
called_computation_lowered:
.L_overlay_start_0:
0x88: {  	s2 =	sld [smem:$0x3FD9]  }
0x89: {  	s3 =	sld [smem:$0x3FFE];
	_ =	sdelay $0x1  }
0x8a: {  	s1 =	srdreg.scid  }
0x8b: {  	s0 =	sand.u32 $0x1, s1  }
0x8c: {  	s17 =	sshll.u32 s0, $0xA;
	s2 =	sadd.s32 s3, s2  }
0x8d: {  	s2 =	sadd.s32 s2, s17  }
0x8e: {  	[smem:$0x3FC2] =	sst s2  }
0x8f: {  	_ = 	snop  }
0x90: {  	s2 =	sld [smem:$0x3FD0];
	(tm) =	ssettm $0x1  }
0x91: {  	s18 =	sld [smem:$0x3FFB];
	_ =	sdelay $0x3  }
0x92: {  	_ =	strace s18  }
0x93: {  	s3 =	sld [smem:$0x3FFC];
	_ =	sdelay $0x3  }
0x94: {  	_ =	strace s3  }
0x95: {  	s3 =	sld [smem:$0x3FFD];
	_ =	sdelay $0x3  }
0x96: {  	_ =	strace s3  }
0x97: {  	_ =	strace $0x8FFFFFFF  }
0x98: {  	s19 =	sld [smem:$0x3FDB];
	_ =	sdelay $0x1  }
0x99: {  	s4 =	simm.s32 $_scs_section_size  }
0x9a: {  	s5 =	simm.s32 $_size__tile_overlayer_lowered;
	s6 =	simm.s32 $_tile_overlayer_lowered  }
0x9b: {  	s22 =	simm.s32 $0x1BFF;
	s21 =	sshll.u32 s6, $0x1;
	s3 =	sadd.s32 s4, s19  }
0x9c: {  	s7 =	simm.s32 $0x0;
	s20 =	sshll.u32 s5, $0x1;
	s5 =	sadd.s32 s21, s3  }
0x9d: {  	[timem:s7], [sflag:s22] =	dma.local [hbm:s5], s20  }
0x9e: {  	_ =	swait.ge [sflag:s22], s20  }
0x9f: {  	s4 =	ssub.s32 $0x0, s20;
	[sflag:s22] =	ssyncset.done $0x0  }
0xa0: {  	[sflag:s22] =	ssyncadd.s32 s4;
	_ =	sdelay $0x1  }
0xa1: {  	s23 =	simm.s32 $0x1B8B  }
0xa2: {  	_ =	swait.ge [sflag:s23], $0x1  }
0xa3: {  	[sflag:s23] =	ssyncset.done $0x0  }
0xa4: {  	s25 =	simm.s32 $0x1B8E;
	s24 =	sld [smem:$0x3FFE];
	[sflag:s23] =	ssyncadd.s32 $0xFFFFFFFF  }
0xa5: {  	s26 =	simm.s32 $execute0_lowered;
	[smem:$0x3FD2] =	sst s25  }
0xa6: {  	s5 =	sshll.u32 s26, $0x1;
	_ =	strace $0x80000049;
	[dreg:$0x1] =	wrdreg $0xFFFFFFFF  }
0xa7: {  	s28 =	simm.s32 $_size_execute0_lowered;
	s3 =	sadd.s32 s3, s5;
	[dreg:$0x0] =	wrdreg $0x0  }
0xa8: {  	s5 =	sshll.u32 s28, $0x1;
	[dreg:$0x2] =	wrdreg s3  }
0xa9: {  	[dreg:$0x3] =	wrdreg s5  }
0xaa: {  	[dreg:$0x4] =	wrdreg $0xC0  }
0xab: {  	_ =	task [dreg:s7], $0x5FFFF  }
0xac: {  	[dreg:$0x1] =	wrdreg $0xFFFFFFFF  }
0xad: {  	[dreg:$0x0] =	wrdreg $0x60  }
0xae: {  	[dreg:$0x2] =	wrdreg s2  }
0xaf: {  	[dreg:$0x3] =	wrdreg s24  }
0xb0: {  	[dreg:$0x4] =	wrdreg $0xF8000  }
0xb1: {  	[dreg:$0x5] =	wrdreg $0x9  }
0xb2: {  	_ =	task.clear_ibuf [dreg:s7], $0x6FFFF;
	_ =	strace $0x90000049  }
0xb3: {  	s29 =	simm.s32 $0x9;
	_ =	strace $0x8000004B  }
0xb4: {  	_ =	swait.ge [sflag:s29], $0x1  }
0xb5: {  	[sflag:s29] =	ssyncadd.s32 $0xFFFFFFFF  }
0xb6: {  	_ =	strace $0x9000004B  }
0xb7: {  	_ =	sfence  }
0xb8: {  	s30 =	sld [smem:$0x0];
	_ =	sdelay $0x2  }
0xb9: {  	s31 =	sshll.u32 s1, $0xD;
	s1 =	sshrl.u32 s1, $0x2  }
0xba: {  	s3 =	sand.u32 $0x4000, s31;
	s1 =	sadd.s32 s1, s30  }
0xbb: {  	s0 =	sor.u32 s3, s0;
	s1 =	sshll.u32 s1, $0x11  }
0xbc: {  	s0 =	sor.u32 s1, s0  }
0xbd: {  	s0 =	sadd.s32 $0x8F2B, s0  }
0xbe: {  	[sflag:s0] =	ssyncadd.remote.s32 $0x1  }
0xbf: {  	_ =	sfence.sel $0xFFFF  }
0xc0: {  	[dreg:$0x0] =	wrdreg $0xFFFFFFFF;
	(pc) =	sbr.abs _section_cstart, $3  }
0xc1: {  	[dreg:$0x1] =	wrdreg $0xFFFFFFFF  }
0xc2: {  	_ =	task.clear_ibuf [dreg:s7], $0x2FFFF;
	_ =	strace $0x9FFFFFFF  }
0xc3: {  	(tm) =	ssettm $0x7FFFFFFF  }
tec
execute0_lowered:
.L_overlay_start_1:
0x0: {  	(tag) =	ssettag $0x1  }
0x1: {  	s0 =	srdreg.scid;
	s1 =	rddreg [dreg:$0x0]  }
0x2: {  	s8 =	stileid.u32;
	s5 =	rddreg [dreg:$0x1]  }
0x3: {  	s3 =	rddreg [dreg:$0x2];
	s4 =	simm.s32 $0x0;
	s30 =	simm.s32 $0x100  }
0x4: {  	s31 =	simm.s32 $0x180;
	s28 =	simm.s32 $0x3;
	s6 =	smul.u32 $0x50, s8  }
0x5: {  	s29 =	simm.s32 $0x4;
	s0 =	sand.u32 $0x1, s0;
	s10 =	smul.u32 $0xA400, s8  }
0x6: {  	[smem:$0x7FF] =	sst s4;
	s2 =	smul.u32 $0x500, s0;
	s17 =	ssub.s32 $0x2, s0  }
0x7: {  	_ =	strace $0x8000004A;
	s0 =	smul.u32 $0x148000, s0;
	s7 =	sshrl.u32 s17, $0x1  }
0x8: {  	s19 =	sshrl.u32 s10, $0x1;
	s11 =	sadd.s32 $0x4000, s10;
	s12 =	sadd.s32 $0x8000, s10  }
0x9: {  	s2 =	sadd.s32 s6, s2;
	s6 =	ssub.s32 s17, s7;
	s20 =	sshrl.u32 s11, $0x1  }
0xa: {  	s9 =	sshrl.u32 s12, $0x1;
	s7 =	sadd.s32 s19, s3;
	s21 =	sadd.s32 s10, s0  }
0xb: {  	s22 =	sadd.s32 s0, s11;
	s0 =	sadd.s32 s0, s12;
	s17 =	simm.s32 $0x5  }
0xc: {  	s19 =	simm.s32 $0x80;
	s2 =	sshll.u32 s2, $0x4;
	s8 =	sadd.s32 s20, s3  }
0xd: {  	s9 =	sadd.s32 s9, s3;
	s11 =	sshrl.u32 s22, $0x4;
	s0 =	sshrl.u32 s0, $0x4  }
0xe: {  	s26 =	smax.u32 s6, $0x1;
	s20 =	simm.s32 $0x9800;
	s22 =	simm.s32 $0xB800  }
0xf: {  	s2 =	sadd.s32 s2, s5;
	s5 =	sadd.s32 $0x16A00, s5;
	[dreg:$0x9] =	wrdreg s26  }
0x10: {  	s26 =	simm.s32 $0x2;
	s18 =	sadd.s32 $0xCA00, s2;
	s2 =	sadd.s32 $0x2A00, s2  }
0x11: {  	s11 =	sadd.s32 s5, s11;
	s12 =	sadd.s32 s5, s0;
	[dreg:$0x4] =	wrdreg s18  }
0x12: {  	s0 =	simm.s32 $0x7780;
	[dreg:$0x5] =	wrdreg s2;
	s24 =	sadd.s32 $0xA400, s11  }
0x13: {  	s2 =	sshrl.u32 s21, $0x4;
	s25 =	sadd.s32 $0xA400, s12;
	[dreg:$0x7] =	wrdreg s24  }
0x14: {  	s18 =	simm.s32 $0x7800;
	s10 =	sadd.s32 s5, s2;
	[dreg:$0x8] =	wrdreg s25  }
0x15: {  	s24 =	simm.s32 $0xD800;
	s25 =	simm.s32 $0x1;
	s23 =	sadd.s32 $0xA400, s10  }
0x16: {  	v0 =	vimm.bf16 $0.0e+00;
	s5 =	simm.s32 $0x0;
	[dreg:$0x6] =	wrdreg s23;
	s23 =	simm.s32 $0x7600  }
.LBB2_1:
0x17: {  	s2 =	rddreg [dreg:$0x4]  }
0x18: {  	[tilespmem:s4], [sflag:$0x5] =	stream.linear.gather [hbm4b:s2+s4], $0x2800, $0x38;
	[tilespmem:$0x14A00] =	vst v63  }
0x19: {  	_ =	swait.ge [sflag:s17], $0x2800  }
0x1a: {  	[sflag:s17] =	ssyncset.done $0x0  }
0x1b: {  	s6 =	simm.s32 $0x2800;
	s16 =	rddreg [dreg:$0x5];
	[sflag:s17] =	ssyncadd.s32 $0xFFFFD800  }
0x1c: {  	[tilespmem:s6], [sflag:$0x5] =	stream.linear.gather [hbm4b:s16+s4], $0x2800, $0x38;
	[tilespmem:$0x14A00] =	vst v63  }
0x1d: {  	_ =	swait.ge [sflag:s17], $0x2800  }
0x1e: {  	[sflag:s17] =	ssyncset.done $0x0  }
0x1f: {  	[sflag:s17] =	ssyncadd.s32 $0xFFFFD800  }
0x20: {  	v1 =	vld [tilespmem:s6+$0x0];
	_ =	sdelay $0x3  }
0x21: {  	s21 =	sand.u32 $0x7F, s4  }
0x22: {  	s13 =	sor.u32 $0x1400, s21;
	vm0 =	vlt.u32 v1, $0x1400  }
0x23: {  	s6 =	simm.s32 $0x5000;
	v1 =	vnsel vm0, s13, v1  }
0x24: {  	s13 =	simm.s32 $0x2810;
	[tilespmem:s6+$0x0] =	vst v1  }
0x25: {  	s14 =	simm.s32 $0x1;
	s15 =	simm.s32 $0x2;
	v1 =	vld [tilespmem:s13+$0x0]  }
.LBB2_2:
0x26: {  	p0 =	sne.s32 s15, $0x27F;
	_ =	sdelay $0x2  }
.Ltmp0:
0x27: {  	s16 =	sand.u32 $0x7F, s14;
	s14 =	smov.u32 s15;
	(pc) =	sbr.rel @p0 .LBB2_2-.Ltmp0, $4  }
0x28: {  	s16 =	sor.u32 $0x1400, s16;
	vm0 =	vlt.u32 v1, $0x1400  }
0x29: {  	s6 =	sadd.s32 $0x10, s6;
	v1 =	vnsel vm0, s16, v1  }
0x2a: {  	s13 =	sadd.s32 $0x10, s13;
	[tilespmem:s6+$0x0] =	vst v1  }
0x2b: {  	s15 =	sadd.s32 $0x1, s15;
	v1 =	vld [tilespmem:s13+$0x0]  }
0x2c: {  	_ =	sdelay $0x2  }
0x2d: {  	s14 =	sand.u32 $0x7F, s14;
	s13 =	simm.s32 $0x0  }
0x2e: {  	s14 =	sor.u32 $0x1400, s14;
	s15 =	sand.u32 $0x7F00, s13;
	s16 =	sand.u32 $0x60, s13;
	vm0 =	vlt.u32 v1, $0x1400  }
0x2f: {  	s6 =	sadd.s32 $0x10, s6;
	s15 =	sshrl.u32 s15, $0x2;
	s21 =	sshrl.u32 s16, $0x1;
	v1 =	vnsel vm0, s14, v1  }
0x30: {  	s14 =	sor.u32 s21, s15;
	[tilespmem:s6+$0x0] =	vst v1  }
0x31: {  	s6 =	simm.s32 $0x40;
	[tilespmem:s14+$0x7800] =	vst v0  }
.LBB2_4:
0x32: {  	p0 =	sne.s32 s6, $0x7FC0  }
.Ltmp1:
0x33: {  	s14 =	sand.u32 $0x7F00, s6;
	s13 =	sadd.s32 $0x20, s13;
	(pc) =	sbr.rel @p0 .LBB2_4-.Ltmp1, $4  }
0x34: {  	s6 =	sadd.s32 $0x40, s6;
	s15 =	sand.u32 $0x60, s13  }
0x35: {  	s14 =	sshrl.u32 s14, $0x2;
	s15 =	sshrl.u32 s15, $0x1  }
0x36: {  	s14 =	sor.u32 s15, s14  }
0x37: {  	[tilespmem:s14+$0x7800] =	vst v0  }
0x38: {  	[spmem:s7] =	stream.linear.scatter [tilespmem:s18], [sflag:$0x5], $0x2000, $0x38;
	[tilespmem:$0x14A00] =	vst v63  }
0x39: {  	_ =	swait.ge [sflag:s17], $0x2000  }
0x3a: {  	[sflag:s17] =	ssyncset.done $0x0  }
0x3b: {  	[sflag:s17] =	ssyncadd.s32 $0xFFFFE000  }
0x3c: {  	[spmem:s8] =	stream.linear.scatter [tilespmem:s18], [sflag:$0x5], $0x2000, $0x38;
	[tilespmem:$0x14A00] =	vst v63  }
0x3d: {  	_ =	swait.ge [sflag:s17], $0x2000  }
0x3e: {  	[sflag:s17] =	ssyncset.done $0x0  }
0x3f: {  	[sflag:s17] =	ssyncadd.s32 $0xFFFFE000  }
0x40: {  	[spmem:s9] =	stream.linear.scatter [tilespmem:s18], [sflag:$0x5], $0x1200, $0x38;
	[tilespmem:$0x14A00] =	vst v63  }
0x41: {  	_ =	swait.ge [sflag:s17], $0x1200  }
0x42: {  	[sflag:s17] =	ssyncset.done $0x0  }
0x43: {  	[sflag:s17] =	ssyncadd.s32 $0xFFFFEE00  }
0x44: {  	s6 =	simm.s32 $0x0;
	[bflag:$0x0] =	sbarrier.arrive $0xFFFF  }
0x45: {  	[tilespmem:s18], [sflag:$0x1] =	stream.indirect.gather [hbm4b:s1+s19], $0x40, s6, s19, $0xb8;
	[tilespmem:$0x14A00] =	vst v63  }
0x46: {  	_ = 	snop  }
0x47: {  	[tilespmem:s20], [sflag:$0x2] =	stream.indirect.gather [hbm4b:s1+s19], $0x40, s19, s19, $0xb8;
	[tilespmem:$0x14A00] =	vst v63  }
0x48: {  	_ = 	snop  }
0x49: {  	[tilespmem:s22], [sflag:$0x3] =	stream.indirect.gather [hbm4b:s1+s19], $0x40, s30, s19, $0xb8;
	[tilespmem:$0x14A00] =	vst v63  }
0x4a: {  	_ = 	snop  }
0x4b: {  	[tilespmem:s24], [sflag:$0x4] =	stream.indirect.gather [hbm4b:s1+s19], $0x40, s31, s19, $0xb8;
	[tilespmem:$0x14A00] =	vst v63  }
0x4c: {  	_ =	swait.ge [sflag:s25], $0x2000  }
0x4d: {  	[sflag:s25] =	ssyncset.done $0x0  }
0x4e: {  	s13 =	simm.s32 $0x5000;
	[sflag:s25] =	ssyncadd.s32 $0xFFFFE000  }
0x4f: {  	[spmem:s3] =	stream.indirect.scatter.add.bf16 [tilespmem:s18], [sflag:$0x5], $0x40, s13, s19, $0xb8;
	[tilespmem:$0x14A00] =	vst v63  }
0x50: {  	_ =	swait.ge [sflag:s17], $0x2000  }
0x51: {  	[sflag:s17] =	ssyncset.done $0x0  }
0x52: {  	s14 =	simm.s32 $0x200;
	[sflag:s17] =	ssyncadd.s32 $0xFFFFE000  }
0x53: {  	[tilespmem:s18], [sflag:$0x1] =	stream.indirect.gather [hbm4b:s1+s19], $0x40, s14, s19, $0xb8;
	[tilespmem:$0x14A00] =	vst v63  }
0x54: {  	_ =	swait.ge [sflag:s26], $0x2000  }
0x55: {  	[sflag:s26] =	ssyncset.done $0x0  }
0x56: {  	s15 =	simm.s32 $0x5080;
	[sflag:s26] =	ssyncadd.s32 $0xFFFFE000  }
0x57: {  	[spmem:s3] =	stream.indirect.scatter.add.bf16 [tilespmem:s20], [sflag:$0x5], $0x40, s15, s19, $0xb8;
	[tilespmem:$0x14A00] =	vst v63  }
0x58: {  	_ =	swait.ge [sflag:s17], $0x2000  }
0x59: {  	[sflag:s17] =	ssyncset.done $0x0  }
0x5a: {  	s16 =	simm.s32 $0x280;
	[sflag:s17] =	ssyncadd.s32 $0xFFFFE000  }
0x5b: {  	[tilespmem:s20], [sflag:$0x2] =	stream.indirect.gather [hbm4b:s1+s19], $0x40, s16, s19, $0xb8;
	[tilespmem:$0x14A00] =	vst v63  }
0x5c: {  	_ =	swait.ge [sflag:s28], $0x2000  }
0x5d: {  	[sflag:s28] =	ssyncset.done $0x0  }
0x5e: {  	s21 =	simm.s32 $0x5100;
	[sflag:s28] =	ssyncadd.s32 $0xFFFFE000  }
0x5f: {  	[spmem:s3] =	stream.indirect.scatter.add.bf16 [tilespmem:s22], [sflag:$0x5], $0x40, s21, s19, $0xb8;
	[tilespmem:$0x14A00] =	vst v63  }
0x60: {  	_ =	swait.ge [sflag:s17], $0x2000  }
0x61: {  	[sflag:s17] =	ssyncset.done $0x0  }
0x62: {  	s30 =	simm.s32 $0x300;
	[sflag:s17] =	ssyncadd.s32 $0xFFFFE000  }
0x63: {  	[tilespmem:s22], [sflag:$0x3] =	stream.indirect.gather [hbm4b:s1+s19], $0x40, s30, s19, $0xb8;
	[tilespmem:$0x14A00] =	vst v63  }
0x64: {  	_ =	swait.ge [sflag:s29], $0x2000  }
0x65: {  	[sflag:s29] =	ssyncset.done $0x0  }
0x66: {  	s31 =	simm.s32 $0x5180;
	[sflag:s29] =	ssyncadd.s32 $0xFFFFE000  }
0x67: {  	[spmem:s3] =	stream.indirect.scatter.add.bf16 [tilespmem:s24], [sflag:$0x5], $0x40, s31, s19, $0xb8;
	[tilespmem:$0x14A00] =	vst v63  }
0x68: {  	_ =	swait.ge [sflag:s17], $0x2000  }
0x69: {  	[sflag:s17] =	ssyncset.done $0x0  }
0x6a: {  	s6 =	simm.s32 $0x800;
	s13 =	simm.s32 $0x380;
	[sflag:s17] =	ssyncadd.s32 $0xFFFFE000  }
.LBB2_6:
0x6b: {  	[tilespmem:s24], [sflag:$0x4] =	stream.indirect.gather [hbm4b:s1+s19], $0x40, s13, s19, $0xb8;
	[tilespmem:$0x14A00] =	vst v63  }
0x6c: {  	s13 =	smov.u32 s6  }
0x6d: {  	p0 =	sne.s32 s6, $0x9000;
	s6 =	sadd.s32 $0x800, s6;
	_ =	swait.ge [sflag:s25], $0x2000  }
0x6e: {  	s13 =	sshra.s32 s13, $0x2;
	[sflag:s25] =	ssyncset.done $0x0  }
0x6f: {  	s14 =	sadd.s32 $0x5000, s13;
	[sflag:s25] =	ssyncadd.s32 $0xFFFFE000  }
0x70: {  	[spmem:s3] =	stream.indirect.scatter.add.bf16 [tilespmem:s18], [sflag:$0x5], $0x40, s14, s19, $0xb8;
	[tilespmem:$0x14A00] =	vst v63  }
0x71: {  	_ =	swait.ge [sflag:s17], $0x2000  }
0x72: {  	[sflag:s17] =	ssyncset.done $0x0  }
0x73: {  	s14 =	sadd.s32 $0x200, s13;
	[sflag:s17] =	ssyncadd.s32 $0xFFFFE000  }
0x74: {  	[tilespmem:s18], [sflag:$0x1] =	stream.indirect.gather [hbm4b:s1+s19], $0x40, s14, s19, $0xb8;
	[tilespmem:$0x14A00] =	vst v63  }
0x75: {  	_ =	swait.ge [sflag:s26], $0x2000  }
0x76: {  	[sflag:s26] =	ssyncset.done $0x0  }
0x77: {  	s14 =	sadd.s32 $0x5080, s13;
	[sflag:s26] =	ssyncadd.s32 $0xFFFFE000  }
0x78: {  	[spmem:s3] =	stream.indirect.scatter.add.bf16 [tilespmem:s20], [sflag:$0x5], $0x40, s14, s19, $0xb8;
	[tilespmem:$0x14A00] =	vst v63  }
0x79: {  	_ =	swait.ge [sflag:s17], $0x2000  }
0x7a: {  	[sflag:s17] =	ssyncset.done $0x0  }
0x7b: {  	s14 =	sadd.s32 $0x280, s13;
	[sflag:s17] =	ssyncadd.s32 $0xFFFFE000  }
0x7c: {  	[tilespmem:s20], [sflag:$0x2] =	stream.indirect.gather [hbm4b:s1+s19], $0x40, s14, s19, $0xb8;
	[tilespmem:$0x14A00] =	vst v63  }
0x7d: {  	_ =	swait.ge [sflag:s28], $0x2000  }
0x7e: {  	[sflag:s28] =	ssyncset.done $0x0  }
0x7f: {  	s14 =	sadd.s32 $0x5100, s13;
	[sflag:s28] =	ssyncadd.s32 $0xFFFFE000  }
0x80: {  	[spmem:s3] =	stream.indirect.scatter.add.bf16 [tilespmem:s22], [sflag:$0x5], $0x40, s14, s19, $0xb8;
	[tilespmem:$0x14A00] =	vst v63  }
0x81: {  	_ =	swait.ge [sflag:s17], $0x2000  }
0x82: {  	[sflag:s17] =	ssyncset.done $0x0  }
0x83: {  	s14 =	sadd.s32 $0x300, s13;
	[sflag:s17] =	ssyncadd.s32 $0xFFFFE000  }
0x84: {  	[tilespmem:s22], [sflag:$0x3] =	stream.indirect.gather [hbm4b:s1+s19], $0x40, s14, s19, $0xb8;
	[tilespmem:$0x14A00] =	vst v63  }
0x85: {  	_ =	swait.ge [sflag:s29], $0x2000  }
0x86: {  	[sflag:s29] =	ssyncset.done $0x0  }
.Ltmp2:
0x87: {  	s14 =	sadd.s32 $0x5180, s13;
	[sflag:s29] =	ssyncadd.s32 $0xFFFFE000;
	(pc) =	sbr.rel @p0 .LBB2_6-.Ltmp2, $4  }
0x88: {  	[spmem:s3] =	stream.indirect.scatter.add.bf16 [tilespmem:s24], [sflag:$0x5], $0x40, s14, s19, $0xb8;
	[tilespmem:$0x14A00] =	vst v63  }
0x89: {  	_ =	swait.ge [sflag:s17], $0x2000  }
0x8a: {  	[sflag:s17] =	ssyncset.done $0x0  }
0x8b: {  	s13 =	sadd.s32 $0x380, s13;
	[sflag:s17] =	ssyncadd.s32 $0xFFFFE000  }
0x8c: {  	[tilespmem:s24], [sflag:$0x4] =	stream.indirect.gather [hbm4b:s1+s19], $0x40, s13, s19, $0xb8;
	[tilespmem:$0x14A00] =	vst v63  }
0x8d: {  	_ =	swait.ge [sflag:s25], $0x2000  }
0x8e: {  	[sflag:s25] =	ssyncset.done $0x0  }
0x8f: {  	[sflag:s25] =	ssyncadd.s32 $0xFFFFE000  }
0x90: {  	[spmem:s3] =	stream.indirect.scatter.add.bf16 [tilespmem:s18], [sflag:$0x5], $0x40, s23, s19, $0xb8;
	[tilespmem:$0x14A00] =	vst v63  }
0x91: {  	_ =	swait.ge [sflag:s17], $0x2000  }
0x92: {  	[sflag:s17] =	ssyncset.done $0x0  }
0x93: {  	[sflag:s17] =	ssyncadd.s32 $0xFFFFE000  }
0x94: {  	_ =	swait.ge [sflag:s26], $0x2000  }
0x95: {  	[sflag:s26] =	ssyncset.done $0x0  }
0x96: {  	s2 =	simm.s32 $0x7680;
	[sflag:s26] =	ssyncadd.s32 $0xFFFFE000  }
0x97: {  	[spmem:s3] =	stream.indirect.scatter.add.bf16 [tilespmem:s20], [sflag:$0x5], $0x40, s2, s19, $0xb8;
	[tilespmem:$0x14A00] =	vst v63  }
0x98: {  	_ =	swait.ge [sflag:s17], $0x2000  }
0x99: {  	[sflag:s17] =	ssyncset.done $0x0  }
0x9a: {  	[sflag:s17] =	ssyncadd.s32 $0xFFFFE000  }
0x9b: {  	_ =	swait.ge [sflag:s28], $0x2000  }
0x9c: {  	[sflag:s28] =	ssyncset.done $0x0  }
0x9d: {  	s14 =	simm.s32 $0x7700;
	[sflag:s28] =	ssyncadd.s32 $0xFFFFE000  }
0x9e: {  	[spmem:s3] =	stream.indirect.scatter.add.bf16 [tilespmem:s22], [sflag:$0x5], $0x40, s14, s19, $0xb8;
	[tilespmem:$0x14A00] =	vst v63  }
0x9f: {  	_ =	swait.ge [sflag:s17], $0x2000  }
0xa0: {  	[sflag:s17] =	ssyncset.done $0x0  }
0xa1: {  	[sflag:s17] =	ssyncadd.s32 $0xFFFFE000  }
0xa2: {  	_ =	swait.ge [sflag:s29], $0x2000  }
0xa3: {  	[sflag:s29] =	ssyncset.done $0x0  }
0xa4: {  	[sflag:s29] =	ssyncadd.s32 $0xFFFFE000  }
0xa5: {  	[spmem:s3] =	stream.indirect.scatter.add.bf16 [tilespmem:s24], [sflag:$0x5], $0x40, s0, s19, $0xb8;
	[tilespmem:$0x14A00] =	vst v63  }
0xa6: {  	_ =	swait.ge [sflag:s17], $0x2000  }
0xa7: {  	s15 =	stileid.u32;
	[sflag:s17] =	ssyncset.done $0x0  }
0xa8: {  	s6 =	sshll.u32 s15, $0x6;
	[sflag:s17] =	ssyncadd.s32 $0xFFFFE000  }
0xa9: {  	s21 =	sshrl.u32 s7, $0x3;
	s6 =	sor.u32 $0x1C05, s6;
	[bflag:$0x0] =	sbarrier.arrive $0xFFFF  }
0xaa: {  	[hbm:s10], [sflag:s6] =	dma.local [spmem:s21], $0x400  }
0xab: {  	_ =	swait.ge [sflag:s17], $0x400  }
0xac: {  	[sflag:s17] =	ssyncset.done $0x0  }
0xad: {  	s13 =	sshrl.u32 s8, $0x3;
	[sflag:s17] =	ssyncadd.s32 $0xFFFFFC00  }
0xae: {  	[hbm:s11], [sflag:s6] =	dma.local [spmem:s13], $0x400  }
0xaf: {  	_ =	swait.ge [sflag:s17], $0x400  }
0xb0: {  	[sflag:s17] =	ssyncset.done $0x0  }
0xb1: {  	s14 =	sshrl.u32 s9, $0x3;
	[sflag:s17] =	ssyncadd.s32 $0xFFFFFC00  }
0xb2: {  	[hbm:s12], [sflag:s6] =	dma.local [spmem:s14], $0x240  }
0xb3: {  	_ =	swait.ge [sflag:s17], $0x240  }
0xb4: {  	[sflag:s17] =	ssyncset.done $0x0  }
0xb5: {  	s15 =	simm.s32 $0x2800;
	[sflag:s17] =	ssyncadd.s32 $0xFFFFFDC0  }
0xb6: {  	v1 =	vld [tilespmem:s15+$0x0];
	_ =	sdelay $0x3  }
0xb7: {  	s23 =	simm.s32 $0x0  }
0xb8: {  	s16 =	sand.u32 $0x7F, s23;
	v1 =	vadd.s32 $0xFFFFEC00, v1  }
0xb9: {  	s16 =	sor.u32 $0x1400, s16;
	vm0 =	vlt.u32 v1, $0x1400  }
0xba: {  	s15 =	simm.s32 $0x5000;
	v1 =	vnsel vm0, s16, v1  }
0xbb: {  	s30 =	simm.s32 $0x2810;
	[tilespmem:s15+$0x0] =	vst v1  }
0xbc: {  	s31 =	simm.s32 $0x2;
	s16 =	simm.s32 $0x1;
	v1 =	vld [tilespmem:s30+$0x0]  }
.LBB2_8:
0xbd: {  	p0 =	sne.s32 s31, $0x27F;
	_ =	sdelay $0x3  }
.Ltmp3:
0xbe: {  	s2 =	sand.u32 $0x7F, s16;
	s16 =	smov.u32 s31;
	v1 =	vadd.s32 $0xFFFFEC00, v1;
	(pc) =	sbr.rel @p0 .LBB2_8-.Ltmp3, $4  }
0xbf: {  	s2 =	sor.u32 $0x1400, s2;
	vm0 =	vlt.u32 v1, $0x1400  }
0xc0: {  	s15 =	sadd.s32 $0x10, s15;
	v1 =	vnsel vm0, s2, v1  }
0xc1: {  	s30 =	sadd.s32 $0x10, s30;
	[tilespmem:s15+$0x0] =	vst v1  }
0xc2: {  	s31 =	sadd.s32 $0x1, s31;
	v1 =	vld [tilespmem:s30+$0x0]  }
0xc3: {  	_ =	sdelay $0x3  }
0xc4: {  	s2 =	sand.u32 $0x7F, s16;
	v1 =	vadd.s32 $0xFFFFEC00, v1  }
0xc5: {  	s31 =	sand.u32 $0x7F00, s23;
	s30 =	sand.u32 $0x60, s23;
	s2 =	sor.u32 $0x1400, s2;
	vm0 =	vlt.u32 v1, $0x1400  }
0xc6: {  	s15 =	sadd.s32 $0x10, s15;
	s16 =	sshrl.u32 s31, $0x2;
	s30 =	sshrl.u32 s30, $0x1;
	v1 =	vnsel vm0, s2, v1  }
0xc7: {  	s31 =	sor.u32 s30, s16;
	[tilespmem:s15+$0x0] =	vst v1  }
0xc8: {  	s15 =	simm.s32 $0x40;
	[tilespmem:s31+$0x7800] =	vst v0  }
.LBB2_10:
0xc9: {  	p0 =	sne.s32 s15, $0x7FC0  }
.Ltmp4:
0xca: {  	s2 =	sand.u32 $0x7F00, s15;
	s23 =	sadd.s32 $0x20, s23;
	(pc) =	sbr.rel @p0 .LBB2_10-.Ltmp4, $4  }
0xcb: {  	s15 =	sadd.s32 $0x40, s15;
	s16 =	sand.u32 $0x60, s23  }
0xcc: {  	s2 =	sshrl.u32 s2, $0x2;
	s16 =	sshrl.u32 s16, $0x1  }
0xcd: {  	s2 =	sor.u32 s16, s2  }
0xce: {  	[tilespmem:s2+$0x7800] =	vst v0  }
0xcf: {  	[spmem:s7] =	stream.linear.scatter [tilespmem:s18], [sflag:$0x5], $0x2000, $0x38;
	[tilespmem:$0x14A00] =	vst v63  }
0xd0: {  	_ =	swait.ge [sflag:s17], $0x2000  }
0xd1: {  	[sflag:s17] =	ssyncset.done $0x0  }
0xd2: {  	[sflag:s17] =	ssyncadd.s32 $0xFFFFE000  }
0xd3: {  	[spmem:s8] =	stream.linear.scatter [tilespmem:s18], [sflag:$0x5], $0x2000, $0x38;
	[tilespmem:$0x14A00] =	vst v63  }
0xd4: {  	_ =	swait.ge [sflag:s17], $0x2000  }
0xd5: {  	[sflag:s17] =	ssyncset.done $0x0  }
0xd6: {  	[sflag:s17] =	ssyncadd.s32 $0xFFFFE000  }
0xd7: {  	[spmem:s9] =	stream.linear.scatter [tilespmem:s18], [sflag:$0x5], $0x1200, $0x38;
	[tilespmem:$0x14A00] =	vst v63  }
0xd8: {  	_ =	swait.ge [sflag:s17], $0x1200  }
0xd9: {  	[sflag:s17] =	ssyncset.done $0x0  }
0xda: {  	[sflag:s17] =	ssyncadd.s32 $0xFFFFEE00  }
0xdb: {  	s2 =	simm.s32 $0x0;
	[bflag:$0x0] =	sbarrier.arrive $0xFFFF  }
0xdc: {  	[tilespmem:s18], [sflag:$0x1] =	stream.indirect.gather [hbm4b:s1+s19], $0x40, s2, s19, $0xb8;
	[tilespmem:$0x14A00] =	vst v63  }
0xdd: {  	_ = 	snop  }
0xde: {  	[tilespmem:s20], [sflag:$0x2] =	stream.indirect.gather [hbm4b:s1+s19], $0x40, s19, s19, $0xb8;
	[tilespmem:$0x14A00] =	vst v63  }
0xdf: {  	s30 =	simm.s32 $0x100  }
0xe0: {  	[tilespmem:s22], [sflag:$0x3] =	stream.indirect.gather [hbm4b:s1+s19], $0x40, s30, s19, $0xb8;
	[tilespmem:$0x14A00] =	vst v63  }
0xe1: {  	s31 =	simm.s32 $0x180  }
0xe2: {  	[tilespmem:s24], [sflag:$0x4] =	stream.indirect.gather [hbm4b:s1+s19], $0x40, s31, s19, $0xb8;
	[tilespmem:$0x14A00] =	vst v63  }
0xe3: {  	_ =	swait.ge [sflag:s25], $0x2000  }
0xe4: {  	[sflag:s25] =	ssyncset.done $0x0  }
0xe5: {  	s23 =	simm.s32 $0x5000;
	[sflag:s25] =	ssyncadd.s32 $0xFFFFE000  }
0xe6: {  	[spmem:s3] =	stream.indirect.scatter.add.bf16 [tilespmem:s18], [sflag:$0x5], $0x40, s23, s19, $0xb8;
	[tilespmem:$0x14A00] =	vst v63  }
0xe7: {  	_ =	swait.ge [sflag:s17], $0x2000  }
0xe8: {  	[sflag:s17] =	ssyncset.done $0x0  }
0xe9: {  	s15 =	simm.s32 $0x200;
	[sflag:s17] =	ssyncadd.s32 $0xFFFFE000  }
0xea: {  	[tilespmem:s18], [sflag:$0x1] =	stream.indirect.gather [hbm4b:s1+s19], $0x40, s15, s19, $0xb8;
	[tilespmem:$0x14A00] =	vst v63  }
0xeb: {  	_ =	swait.ge [sflag:s26], $0x2000  }
0xec: {  	[sflag:s26] =	ssyncset.done $0x0  }
0xed: {  	s16 =	simm.s32 $0x5080;
	[sflag:s26] =	ssyncadd.s32 $0xFFFFE000  }
0xee: {  	[spmem:s3] =	stream.indirect.scatter.add.bf16 [tilespmem:s20], [sflag:$0x5], $0x40, s16, s19, $0xb8;
	[tilespmem:$0x14A00] =	vst v63  }
0xef: {  	_ =	swait.ge [sflag:s17], $0x2000  }
0xf0: {  	[sflag:s17] =	ssyncset.done $0x0  }
0xf1: {  	s23 =	simm.s32 $0x280;
	[sflag:s17] =	ssyncadd.s32 $0xFFFFE000  }
0xf2: {  	[tilespmem:s20], [sflag:$0x2] =	stream.indirect.gather [hbm4b:s1+s19], $0x40, s23, s19, $0xb8;
	[tilespmem:$0x14A00] =	vst v63  }
0xf3: {  	_ =	swait.ge [sflag:s28], $0x2000  }
0xf4: {  	[sflag:s28] =	ssyncset.done $0x0  }
0xf5: {  	s15 =	simm.s32 $0x5100;
	[sflag:s28] =	ssyncadd.s32 $0xFFFFE000  }
0xf6: {  	[spmem:s3] =	stream.indirect.scatter.add.bf16 [tilespmem:s22], [sflag:$0x5], $0x40, s15, s19, $0xb8;
	[tilespmem:$0x14A00] =	vst v63  }
0xf7: {  	_ =	swait.ge [sflag:s17], $0x2000  }
0xf8: {  	[sflag:s17] =	ssyncset.done $0x0  }
0xf9: {  	s16 =	simm.s32 $0x300;
	[sflag:s17] =	ssyncadd.s32 $0xFFFFE000  }
0xfa: {  	[tilespmem:s22], [sflag:$0x3] =	stream.indirect.gather [hbm4b:s1+s19], $0x40, s16, s19, $0xb8;
	[tilespmem:$0x14A00] =	vst v63  }
0xfb: {  	_ =	swait.ge [sflag:s29], $0x2000  }
0xfc: {  	[sflag:s29] =	ssyncset.done $0x0  }
0xfd: {  	s23 =	simm.s32 $0x5180;
	[sflag:s29] =	ssyncadd.s32 $0xFFFFE000  }
0xfe: {  	[spmem:s3] =	stream.indirect.scatter.add.bf16 [tilespmem:s24], [sflag:$0x5], $0x40, s23, s19, $0xb8;
	[tilespmem:$0x14A00] =	vst v63  }
0xff: {  	_ =	swait.ge [sflag:s17], $0x2000  }
0x100: {  	[sflag:s17] =	ssyncset.done $0x0  }
0x101: {  	s15 =	simm.s32 $0x380;
	s23 =	simm.s32 $0x800;
	[sflag:s17] =	ssyncadd.s32 $0xFFFFE000  }
.LBB2_12:
0x102: {  	[tilespmem:s24], [sflag:$0x4] =	stream.indirect.gather [hbm4b:s1+s19], $0x40, s15, s19, $0xb8;
	[tilespmem:$0x14A00] =	vst v63  }
0x103: {  	s2 =	smov.u32 s23  }
0x104: {  	p0 =	sne.s32 s23, $0x9000;
	s23 =	sadd.s32 $0x800, s23;
	_ =	swait.ge [sflag:s25], $0x2000  }
0x105: {  	s15 =	sshra.s32 s2, $0x2;
	[sflag:s25] =	ssyncset.done $0x0  }
0x106: {  	s2 =	sadd.s32 $0x5000, s15;
	[sflag:s25] =	ssyncadd.s32 $0xFFFFE000  }
0x107: {  	[spmem:s3] =	stream.indirect.scatter.add.bf16 [tilespmem:s18], [sflag:$0x5], $0x40, s2, s19, $0xb8;
	[tilespmem:$0x14A00] =	vst v63  }
0x108: {  	_ =	swait.ge [sflag:s17], $0x2000  }
0x109: {  	[sflag:s17] =	ssyncset.done $0x0  }
0x10a: {  	s2 =	sadd.s32 $0x200, s15;
	[sflag:s17] =	ssyncadd.s32 $0xFFFFE000  }
0x10b: {  	[tilespmem:s18], [sflag:$0x1] =	stream.indirect.gather [hbm4b:s1+s19], $0x40, s2, s19, $0xb8;
	[tilespmem:$0x14A00] =	vst v63  }
0x10c: {  	_ =	swait.ge [sflag:s26], $0x2000  }
0x10d: {  	[sflag:s26] =	ssyncset.done $0x0  }
0x10e: {  	s2 =	sadd.s32 $0x5080, s15;
	[sflag:s26] =	ssyncadd.s32 $0xFFFFE000  }
0x10f: {  	[spmem:s3] =	stream.indirect.scatter.add.bf16 [tilespmem:s20], [sflag:$0x5], $0x40, s2, s19, $0xb8;
	[tilespmem:$0x14A00] =	vst v63  }
0x110: {  	_ =	swait.ge [sflag:s17], $0x2000  }
0x111: {  	[sflag:s17] =	ssyncset.done $0x0  }
0x112: {  	s2 =	sadd.s32 $0x280, s15;
	[sflag:s17] =	ssyncadd.s32 $0xFFFFE000  }
0x113: {  	[tilespmem:s20], [sflag:$0x2] =	stream.indirect.gather [hbm4b:s1+s19], $0x40, s2, s19, $0xb8;
	[tilespmem:$0x14A00] =	vst v63  }
0x114: {  	_ =	swait.ge [sflag:s28], $0x2000  }
0x115: {  	[sflag:s28] =	ssyncset.done $0x0  }
0x116: {  	s2 =	sadd.s32 $0x5100, s15;
	[sflag:s28] =	ssyncadd.s32 $0xFFFFE000  }
0x117: {  	[spmem:s3] =	stream.indirect.scatter.add.bf16 [tilespmem:s22], [sflag:$0x5], $0x40, s2, s19, $0xb8;
	[tilespmem:$0x14A00] =	vst v63  }
0x118: {  	_ =	swait.ge [sflag:s17], $0x2000  }
0x119: {  	[sflag:s17] =	ssyncset.done $0x0  }
0x11a: {  	s2 =	sadd.s32 $0x300, s15;
	[sflag:s17] =	ssyncadd.s32 $0xFFFFE000  }
0x11b: {  	[tilespmem:s22], [sflag:$0x3] =	stream.indirect.gather [hbm4b:s1+s19], $0x40, s2, s19, $0xb8;
	[tilespmem:$0x14A00] =	vst v63  }
0x11c: {  	_ =	swait.ge [sflag:s29], $0x2000  }
0x11d: {  	[sflag:s29] =	ssyncset.done $0x0  }
.Ltmp5:
0x11e: {  	s2 =	sadd.s32 $0x5180, s15;
	[sflag:s29] =	ssyncadd.s32 $0xFFFFE000;
	(pc) =	sbr.rel @p0 .LBB2_12-.Ltmp5, $4  }
0x11f: {  	[spmem:s3] =	stream.indirect.scatter.add.bf16 [tilespmem:s24], [sflag:$0x5], $0x40, s2, s19, $0xb8;
	[tilespmem:$0x14A00] =	vst v63  }
0x120: {  	_ =	swait.ge [sflag:s17], $0x2000  }
0x121: {  	[sflag:s17] =	ssyncset.done $0x0  }
0x122: {  	s15 =	sadd.s32 $0x380, s15;
	[sflag:s17] =	ssyncadd.s32 $0xFFFFE000  }
0x123: {  	[tilespmem:s24], [sflag:$0x4] =	stream.indirect.gather [hbm4b:s1+s19], $0x40, s15, s19, $0xb8;
	[tilespmem:$0x14A00] =	vst v63  }
0x124: {  	_ =	swait.ge [sflag:s25], $0x2000  }
0x125: {  	[sflag:s25] =	ssyncset.done $0x0  }
0x126: {  	s23 =	simm.s32 $0x7600;
	[sflag:s25] =	ssyncadd.s32 $0xFFFFE000  }
0x127: {  	[spmem:s3] =	stream.indirect.scatter.add.bf16 [tilespmem:s18], [sflag:$0x5], $0x40, s23, s19, $0xb8;
	[tilespmem:$0x14A00] =	vst v63  }
0x128: {  	_ =	swait.ge [sflag:s17], $0x2000  }
0x129: {  	[sflag:s17] =	ssyncset.done $0x0  }
0x12a: {  	[sflag:s17] =	ssyncadd.s32 $0xFFFFE000  }
0x12b: {  	_ =	swait.ge [sflag:s26], $0x2000  }
0x12c: {  	[sflag:s26] =	ssyncset.done $0x0  }
0x12d: {  	s2 =	simm.s32 $0x7680;
	[sflag:s26] =	ssyncadd.s32 $0xFFFFE000  }
0x12e: {  	[spmem:s3] =	stream.indirect.scatter.add.bf16 [tilespmem:s20], [sflag:$0x5], $0x40, s2, s19, $0xb8;
	[tilespmem:$0x14A00] =	vst v63  }
0x12f: {  	_ =	swait.ge [sflag:s17], $0x2000  }
0x130: {  	[sflag:s17] =	ssyncset.done $0x0  }
0x131: {  	[sflag:s17] =	ssyncadd.s32 $0xFFFFE000  }
0x132: {  	_ =	swait.ge [sflag:s28], $0x2000  }
0x133: {  	[sflag:s28] =	ssyncset.done $0x0  }
0x134: {  	s15 =	simm.s32 $0x7700;
	[sflag:s28] =	ssyncadd.s32 $0xFFFFE000  }
0x135: {  	[spmem:s3] =	stream.indirect.scatter.add.bf16 [tilespmem:s22], [sflag:$0x5], $0x40, s15, s19, $0xb8;
	[tilespmem:$0x14A00] =	vst v63  }
0x136: {  	_ =	swait.ge [sflag:s17], $0x2000  }
0x137: {  	[sflag:s17] =	ssyncset.done $0x0  }
0x138: {  	[sflag:s17] =	ssyncadd.s32 $0xFFFFE000  }
0x139: {  	_ =	swait.ge [sflag:s29], $0x2000  }
0x13a: {  	[sflag:s29] =	ssyncset.done $0x0  }
0x13b: {  	[sflag:s29] =	ssyncadd.s32 $0xFFFFE000  }
0x13c: {  	[spmem:s3] =	stream.indirect.scatter.add.bf16 [tilespmem:s24], [sflag:$0x5], $0x40, s0, s19, $0xb8;
	[tilespmem:$0x14A00] =	vst v63  }
0x13d: {  	_ =	swait.ge [sflag:s17], $0x2000  }
0x13e: {  	[sflag:s17] =	ssyncset.done $0x0  }
0x13f: {  	[sflag:s17] =	ssyncadd.s32 $0xFFFFE000  }
0x140: {  	[bflag:$0x0] =	sbarrier.arrive $0xFFFF  }
0x141: {  	s16 =	rddreg [dreg:$0x6]  }
0x142: {  	[hbm:s16], [sflag:s6] =	dma.local [spmem:s21], $0x400  }
0x143: {  	_ =	swait.ge [sflag:s17], $0x400  }
0x144: {  	[sflag:s17] =	ssyncset.done $0x0  }
0x145: {  	s15 =	rddreg [dreg:$0x7];
	[sflag:s17] =	ssyncadd.s32 $0xFFFFFC00  }
0x146: {  	[hbm:s15], [sflag:s6] =	dma.local [spmem:s13], $0x400  }
0x147: {  	_ =	swait.ge [sflag:s17], $0x400  }
0x148: {  	[sflag:s17] =	ssyncset.done $0x0  }
0x149: {  	s16 =	rddreg [dreg:$0x8];
	[sflag:s17] =	ssyncadd.s32 $0xFFFFFC00  }
0x14a: {  	[hbm:s16], [sflag:s6] =	dma.local [spmem:s14], $0x240  }
0x14b: {  	_ =	swait.ge [sflag:s17], $0x240  }
0x14c: {  	s5 =	sadd.s32 $0x1, s5;
	s21 =	rddreg [dreg:$0x9]  }
0x14d: {  	p0 =	sne.s32 s5, s21  }
.Ltmp6:
0x14e: {  	_ = 	snop;
	(pc) =	sbr.rel @p0 .LBB2_1-.Ltmp6, $3  }
0x14f: {  	_ =	sdelay $0x1  }
0x150: {  	[sflag:s17] =	ssyncset.done $0x0  }
0x151: {  	[sflag:s17] =	ssyncadd.s32 $0xFFFFFDC0  }
0x152: {  	_ =	sfence.sel $0x180000  }
0x153: {  	[bflag:$0x0] =	sbarrier.arrive $0xFFFF  }
0x154: {  	_ =	strace $0x9000004A  }
0x155: {  	s0 =	stileid.u32;
	[bflag:$0x2] =	sbarrier.arrive $0xFFFF  }
0x156: {  	p0 =	sne.s32 s0, $0x0;
	s0 =	rddreg [dreg:$0x3]  }
0x157: {  	s0 =	sadd.s32 @!p0 $0x100000, s0  }
0x158: {  	[sflag:s0] =	ssyncadd.tile.s32 @!p0 $0x1;
	_ =	shalt  }
.Lfunc_end2:
_tile_overlayer_lowered:
.L_overlay_start_2:
0x159: {  	(tag) =	ssettag $0x2  }
0x15a: {  	s0 =	rddreg [dreg:$0x0];
	s2 =	stileid.u32  }
0x15b: {  	s1 =	rddreg [dreg:$0x1];
	p0 =	sne.s32 s2, $0x0  }
0x15c: {  	s3 =	rddreg [dreg:$0x2];
	[bflag:$0x3] =	sbarrier.arrive $0xFFFF;
	s2 =	simm.s32 @!p0 $0x1C05  }
0x15d: {  	[timem:s3], [sflag:s2] =	dma.local @!p0 [hbm:s0], s1  }
0x15e: {  	s0 =	simm.s32 @!p0 $0x5  }
0x15f: {  	_ =	swait.ge @!p0 [sflag:s0], s1  }
0x160: {  	s1 =	ssub.s32 @!p0 $0x0, s1;
	[sflag:s0] =	ssyncset.done @!p0 $0x0  }
0x161: {  	[sflag:s0] =	ssyncadd.s32 @!p0 s1  }
0x162: {  	[bflag:$0x3] =	sbarrier.arrive $0xFFFF  }
0x163: {  	_ =	shalt  }

// kernel: kernel.3.cloned.1.call-start
scs
__scs_entry_jumppad:
0x0: {  	(pc) =	sbr.rel $0x88, $3  }
0x1: {  	(tag) =	ssettag $0x0;
	lr =	simm.s32 $0x1  }
0x2: {  	[smem:$0x3F9B] =	sst lr;
	_ =	strace $0xD0000000  }
0x3: {  	_ = 	snop  }
0x4: {  	_ = 	snop  }
0x5: {  	_ = 	snop  }
0x6: {  	_ = 	snop  }
0x7: {  	_ = 	snop  }
__scs_overlays_trampoline_lowered:
0x8: {  	[smem:$0x3FAA] =	sst s0  }
0x9: {  	[smem:$0x3FAB] =	sst s1  }
0xa: {  	[smem:$0x3FAC] =	sst s2  }
0xb: {  	[smem:$0x3FAD] =	sst s3  }
0xc: {  	[smem:$0x3FAE] =	sst s4  }
0xd: {  	[smem:$0x3FAF] =	sst s5  }
0xe: {  	[smem:$0x3FB0] =	sst s6  }
0xf: {  	[smem:$0x3FB1] =	sst s7  }
0x10: {  	[smem:$0x3FB2] =	sst s8  }
0x11: {  	[smem:$0x3FB3] =	sst s9;
	s0 =	simm.s32 @!p0 $0x0  }
0x12: {  	s1 =	sld [smem:$0x3F99];
	s0 =	simm.s32 @p0 $0x1  }
0x13: {  	[smem:$0x3FB4] =	sst s0;
	s0 =	simm.s32 @!p1 $0x0  }
0x14: {  	s2 =	sld [smem:$0x3F98];
	s0 =	simm.s32 @p1 $0x1  }
0x15: {  	[smem:$0x3FB5] =	sst s0;
	s0 =	simm.s32 @!p2 $0x0  }
0x16: {  	s3 =	sld [smem:$0x3FDB];
	s0 =	simm.s32 @p2 $0x1  }
0x17: {  	s4 =	simm.s32 $0x1BF5;
	[smem:$0x3FB7] =	sst s0  }
0x18: {  	s0 =	sld [smem:$0x3F9A];
	_ =	swait.ge [sflag:s4], $0x0  }
0x19: {  	s7 =	sld [smem:$0x3F9B]  }
0x1a: {  	s8 =	sadd.s32 $0xFFFFE003, lr  }
0x1b: {  	s9 =	sadd.s32 $0xFFFFFEF7, lr;
	s5 =	simm.s32 $0xFFFFFFFF;
	p2 =	slt.u32 s8, $0xFFFFF086  }
0x1c: {  	p1 =	slt.u32 s9, $0xF7A;
	s5 =	simm.s32 @!p2 $0x0  }
0x1d: {  	s5 =	simm.s32 @p1 $0x1;
	p0 =	seq.s32 s7, s2  }
0x1e: {  	s7 =	smul.u32 @!p0 $0xF7A, s2;
	p2 =	seq.s32 @!p0 s5, $0x0  }
0x1f: {  	s9 =	smul.u32 $0xF7A, s1;
	s8 =	simm.s32 @!p0 $0x1BF5;
	p2 =	por !p2, p0  }
0x20: {  	[sflag:s8] =	ssyncset.s32 @!p0 $0xFFFFF086;
	s6 =	sadd.s32 @!p0 s3, s7;
	s7 =	simm.s32 @!p0 $0x108  }
0x21: {  	s3 =	sadd.s32 s3, s9;
	s6 =	sadd.s32 @!p0 $0x88, s6;
	s7 =	simm.s32 @p2 $0x1082  }
0x22: {  	[simem:s7], [sflag:s8] =	dma.local @!p0 [hbm:s6], $0xF7A  }
0x23: {  	s9 =	sor.u32 $0xD0000000, s2;
	s6 =	simm.s32 $0x108;
	_ =	swait.ge @!p0 [sflag:s8], $0x0  }
0x24: {  	s3 =	sadd.s32 $0x88, s3;
	s6 =	simm.s32 @!p1 $0x1082;
	[sflag:s4] =	ssyncset.s32 $0xFFFFF086  }
0x25: {  	[simem:s6], [sflag:s4] =	dma.local [hbm:s3], $0xF7A  }
0x26: {  	[smem:$0x3F9B] =	sst s1;
	(tag) =	ssettag s2;
	_ =	strace s9  }
0x27: {  	s1 =	sld [smem:$0x3FAB]  }
0x28: {  	s2 =	sld [smem:$0x3FAC]  }
0x29: {  	s4 =	sld [smem:$0x3FAE]  }
0x2a: {  	p0 =	seq.s32 s5, $0x0;
	s5 =	sld [smem:$0x3FAF]  }
0x2b: {  	s6 =	sld [smem:$0x3FB0]  }
0x2c: {  	s7 =	sld [smem:$0x3FB1]  }
0x2d: {  	s3 =	simm.s32 $0x108;
	s8 =	sld [smem:$0x3FB2]  }
0x2e: {  	s3 =	simm.s32 @!p0 $0x1082;
	s9 =	sld [smem:$0x3FB3]  }
0x2f: {  	lr =	sadd.s32 s0, s3;
	s0 =	sld [smem:$0x3FAA]  }
0x30: {  	s3 =	sld [smem:$0x3FAD]  }
0x31: {  	[smem:$0x3FB6] =	sst s10  }
0x32: {  	s10 =	sld [smem:$0x3FB4];
	_ =	sdelay $0x3  }
0x33: {  	p0 =	seq.s32 s10, $0x1;
	s10 =	sld [smem:$0x3FB6];
	_ =	sdelay $0x3  }
0x34: {  	[smem:$0x3FB6] =	sst s10  }
0x35: {  	s10 =	sld [smem:$0x3FB5];
	_ =	sdelay $0x3  }
0x36: {  	p1 =	seq.s32 s10, $0x1;
	s10 =	sld [smem:$0x3FB6];
	_ =	sdelay $0x3  }
0x37: {  	[smem:$0x3FB6] =	sst s10  }
0x38: {  	s10 =	sld [smem:$0x3FB7]  }
0x39: {  	_ = 	snop;
	(pc) =	sbr.ind lr, $3  }
0x3a: {  	_ = 	snop  }
0x3b: {  	_ = 	snop  }
0x3c: {  	p2 =	seq.s32 s10, $0x1;
	s10 =	sld [smem:$0x3FB6]  }
0x3d: {  	_ =	shalt  }
0x3e: {  	_ =	shalt  }
0x3f: {  	_ =	shalt  }
0x40: {  	_ =	shalt  }
0x41: {  	_ =	shalt  }
0x42: {  	_ =	shalt  }
0x43: {  	_ =	shalt  }
0x44: {  	_ =	shalt  }
0x45: {  	_ =	shalt  }
0x46: {  	_ =	shalt  }
0x47: {  	_ =	shalt  }
0x48: {  	_ =	shalt  }
0x49: {  	_ =	shalt  }
0x4a: {  	_ =	shalt  }
0x4b: {  	_ =	shalt  }
0x4c: {  	_ =	shalt  }
0x4d: {  	_ =	shalt  }
0x4e: {  	_ =	shalt  }
0x4f: {  	_ =	shalt  }
0x50: {  	_ =	shalt  }
0x51: {  	_ =	shalt  }
0x52: {  	_ =	shalt  }
0x53: {  	_ =	shalt  }
0x54: {  	_ =	shalt  }
0x55: {  	_ =	shalt  }
0x56: {  	_ =	shalt  }
0x57: {  	_ =	shalt  }
0x58: {  	_ =	shalt  }
0x59: {  	_ =	shalt  }
0x5a: {  	_ =	shalt  }
0x5b: {  	_ =	shalt  }
0x5c: {  	_ =	shalt  }
0x5d: {  	_ =	shalt  }
0x5e: {  	_ =	shalt  }
0x5f: {  	_ =	shalt  }
0x60: {  	_ =	shalt  }
0x61: {  	_ =	shalt  }
0x62: {  	_ =	shalt  }
0x63: {  	_ =	shalt  }
0x64: {  	_ =	shalt  }
0x65: {  	_ =	shalt  }
0x66: {  	_ =	shalt  }
0x67: {  	_ =	shalt  }
0x68: {  	_ =	shalt  }
0x69: {  	_ =	shalt  }
0x6a: {  	_ =	shalt  }
0x6b: {  	_ =	shalt  }
0x6c: {  	_ =	shalt  }
0x6d: {  	_ =	shalt  }
0x6e: {  	_ =	shalt  }
0x6f: {  	_ =	shalt  }
0x70: {  	_ =	shalt  }
0x71: {  	_ =	shalt  }
0x72: {  	_ =	shalt  }
0x73: {  	_ =	shalt  }
0x74: {  	_ =	shalt  }
0x75: {  	_ =	shalt  }
0x76: {  	_ =	shalt  }
0x77: {  	_ =	shalt  }
0x78: {  	_ =	shalt  }
0x79: {  	_ =	shalt  }
0x7a: {  	_ =	shalt  }
0x7b: {  	_ =	shalt  }
0x7c: {  	_ =	shalt  }
0x7d: {  	_ =	shalt  }
0x7e: {  	_ =	shalt  }
0x7f: {  	_ =	shalt  }
0x80: {  	_ =	shalt  }
0x81: {  	_ =	shalt  }
0x82: {  	_ =	shalt  }
0x83: {  	_ =	shalt  }
0x84: {  	_ =	shalt  }
0x85: {  	_ =	shalt  }
0x86: {  	_ =	shalt  }
0x87: {  	_ =	shalt  }
.Lfunc_end0:
.L_simem_size_0:
called_computation.1_lowered:
.L_overlay_start_0:
0x88: {  	s2 =	sld [smem:$0x3FD9]  }
0x89: {  	s3 =	sld [smem:$0x3FFE];
	_ =	sdelay $0x1  }
0x8a: {  	s1 =	srdreg.scid  }
0x8b: {  	s0 =	sand.u32 $0x1, s1  }
0x8c: {  	s17 =	sshll.u32 s0, $0xA;
	s2 =	sadd.s32 s3, s2  }
0x8d: {  	s2 =	sadd.s32 s2, s17  }
0x8e: {  	[smem:$0x3FC2] =	sst s2  }
0x8f: {  	_ = 	snop  }
0x90: {  	s2 =	sld [smem:$0x3FD0];
	(tm) =	ssettm $0x1  }
0x91: {  	s18 =	sld [smem:$0x3FFB];
	_ =	sdelay $0x3  }
0x92: {  	_ =	strace s18  }
0x93: {  	s3 =	sld [smem:$0x3FFC];
	_ =	sdelay $0x3  }
0x94: {  	_ =	strace s3  }
0x95: {  	s3 =	sld [smem:$0x3FFD];
	_ =	sdelay $0x3  }
0x96: {  	_ =	strace s3  }
0x97: {  	_ =	strace $0x8FFFFFFF  }
0x98: {  	s19 =	sld [smem:$0x3FDB];
	_ =	sdelay $0x1  }
0x99: {  	s4 =	simm.s32 $_scs_section_size  }
0x9a: {  	s5 =	simm.s32 $_size__tile_overlayer_lowered;
	s6 =	simm.s32 $_tile_overlayer_lowered  }
0x9b: {  	s22 =	simm.s32 $0x1BFF;
	s21 =	sshll.u32 s6, $0x1;
	s3 =	sadd.s32 s4, s19  }
0x9c: {  	s7 =	simm.s32 $0x0;
	s20 =	sshll.u32 s5, $0x1;
	s5 =	sadd.s32 s21, s3  }
0x9d: {  	[timem:s7], [sflag:s22] =	dma.local [hbm:s5], s20  }
0x9e: {  	_ =	swait.ge [sflag:s22], s20  }
0x9f: {  	s4 =	ssub.s32 $0x0, s20;
	[sflag:s22] =	ssyncset.done $0x0  }
0xa0: {  	[sflag:s22] =	ssyncadd.s32 s4;
	_ =	sdelay $0x1  }
0xa1: {  	s23 =	simm.s32 $0x1B8B  }
0xa2: {  	_ =	swait.ge [sflag:s23], $0x1  }
0xa3: {  	[sflag:s23] =	ssyncset.done $0x0  }
0xa4: {  	s25 =	simm.s32 $0x1B8E;
	s24 =	sld [smem:$0x3FFE];
	[sflag:s23] =	ssyncadd.s32 $0xFFFFFFFF  }
0xa5: {  	s26 =	simm.s32 $execute0_lowered;
	[smem:$0x3FD2] =	sst s25  }
0xa6: {  	s5 =	sshll.u32 s26, $0x1;
	_ =	strace $0x80000046;
	[dreg:$0x1] =	wrdreg $0xFFFFFFFF  }
0xa7: {  	s28 =	simm.s32 $_size_execute0_lowered;
	s3 =	sadd.s32 s3, s5;
	[dreg:$0x0] =	wrdreg $0x0  }
0xa8: {  	s5 =	sshll.u32 s28, $0x1;
	[dreg:$0x2] =	wrdreg s3  }
0xa9: {  	[dreg:$0x3] =	wrdreg s5  }
0xaa: {  	[dreg:$0x4] =	wrdreg $0xC0  }
0xab: {  	_ =	task [dreg:s7], $0x5FFFF  }
0xac: {  	[dreg:$0x1] =	wrdreg $0xFFFFFFFF  }
0xad: {  	[dreg:$0x0] =	wrdreg $0x60  }
0xae: {  	[dreg:$0x2] =	wrdreg s2  }
0xaf: {  	[dreg:$0x3] =	wrdreg s24  }
0xb0: {  	[dreg:$0x4] =	wrdreg $0x2B000  }
0xb1: {  	[dreg:$0x5] =	wrdreg $0x9  }
0xb2: {  	_ =	task.clear_ibuf [dreg:s7], $0x6FFFF;
	_ =	strace $0x90000046  }
0xb3: {  	s29 =	simm.s32 $0x9;
	_ =	strace $0x80000048  }
0xb4: {  	_ =	swait.ge [sflag:s29], $0x1  }
0xb5: {  	[sflag:s29] =	ssyncadd.s32 $0xFFFFFFFF  }
0xb6: {  	_ =	strace $0x90000048  }
0xb7: {  	_ =	sfence  }
0xb8: {  	s30 =	sld [smem:$0x0];
	_ =	sdelay $0x2  }
0xb9: {  	s31 =	sshll.u32 s1, $0xD;
	s1 =	sshrl.u32 s1, $0x2  }
0xba: {  	s3 =	sand.u32 $0x4000, s31;
	s1 =	sadd.s32 s1, s30  }
0xbb: {  	s0 =	sor.u32 s3, s0;
	s1 =	sshll.u32 s1, $0x11  }
0xbc: {  	s0 =	sor.u32 s1, s0  }
0xbd: {  	s0 =	sadd.s32 $0x8F2B, s0  }
0xbe: {  	[sflag:s0] =	ssyncadd.remote.s32 $0x1  }
0xbf: {  	_ =	sfence.sel $0xFFFF  }
0xc0: {  	[dreg:$0x0] =	wrdreg $0xFFFFFFFF;
	(pc) =	sbr.abs _section_cstart, $3  }
0xc1: {  	[dreg:$0x1] =	wrdreg $0xFFFFFFFF  }
0xc2: {  	_ =	task.clear_ibuf [dreg:s7], $0x2FFFF;
	_ =	strace $0x9FFFFFFF  }
0xc3: {  	(tm) =	ssettm $0x7FFFFFFF  }
tec
execute0_lowered:
.L_overlay_start_1:
0x0: {  	(tag) =	ssettag $0x1  }
0x1: {  	s5 =	rddreg [dreg:$0x0]  }
0x2: {  	s4 =	rddreg [dreg:$0x1]  }
0x3: {  	s1 =	srdreg.scid;
	s0 =	stileid.u32  }
0x4: {  	s2 =	rddreg [dreg:$0x2];
	s7 =	smul.u32 $0x280, s0  }
0x5: {  	s3 =	simm.s32 $0x0;
	s6 =	sand.u32 $0x1, s1;
	s10 =	smul.u32 $0x500, s0  }
0x6: {  	s14 =	simm.s32 $0x0;
	s1 =	rddreg [dreg:$0x3];
	s8 =	smul.u32 $0x2800, s6  }
0x7: {  	[smem:$0x7FF] =	sst s3;
	s9 =	smul.u32 $0x5000, s6;
	s6 =	ssub.s32 $0x2, s6  }
0x8: {  	s12 =	sshll.u32 s0, $0x6;
	_ =	strace $0x80000047;
	s11 =	sshrl.u32 s6, $0x1  }
0x9: {  	s12 =	sor.u32 $0x1C01, s12;
	s8 =	sadd.s32 s7, s8;
	s11 =	ssub.s32 s6, s11  }
0xa: {  	s31 =	sadd.s32 s10, s9;
	s9 =	simm.s32 $0x1;
	s8 =	sshrl.u32 s8, $0x3  }
0xb: {  	s10 =	simm.s32 $0x80;
	s5 =	sadd.s32 s5, s31;
	s8 =	sadd.s32 s8, s4  }
0xc: {  	s4 =	sadd.s32 s7, s2;
	s7 =	smax.u32 s11, $0x1;
	s11 =	simm.s32 $0x2800  }
0xd: {  	v0 =	vimm.f32 $0.0e+00;
	v1 =	vimm.f32 $1.000000000e+00;
	s6 =	sadd.s32 $0x1E00, s8;
	s8 =	simm.s32 $0x2880;
	s13 =	sshrl.u32 s4, $0x3  }
.LBB2_1:
0xe: {  	[tilespmem:$0x2880] =	vst v0  }
0xf: {  	[tilespmem:$0x2890] =	vst v0  }
0x10: {  	[tilespmem:$0x28A0] =	vst v0  }
0x11: {  	[tilespmem:$0x28B0] =	vst v0  }
0x12: {  	[tilespmem:$0x28C0] =	vst v0  }
0x13: {  	[tilespmem:$0x28D0] =	vst v0  }
0x14: {  	[tilespmem:$0x28E0] =	vst v0  }
0x15: {  	[tilespmem:$0x28F0] =	vst v0  }
0x16: {  	[tilespmem:$0x2900] =	vst v0  }
0x17: {  	[tilespmem:$0x2910] =	vst v0  }
0x18: {  	[tilespmem:$0x2920] =	vst v0  }
0x19: {  	[tilespmem:$0x2930] =	vst v0  }
0x1a: {  	[tilespmem:$0x2940] =	vst v0  }
0x1b: {  	[tilespmem:$0x2950] =	vst v0  }
0x1c: {  	[tilespmem:$0x2960] =	vst v0  }
0x1d: {  	[tilespmem:$0x2970] =	vst v0  }
0x1e: {  	[tilespmem:$0x2980] =	vst v0  }
0x1f: {  	[tilespmem:$0x2990] =	vst v0  }
0x20: {  	[tilespmem:$0x29A0] =	vst v0  }
0x21: {  	[tilespmem:$0x29B0] =	vst v0  }
0x22: {  	[tilespmem:$0x29C0] =	vst v0  }
0x23: {  	[tilespmem:$0x29D0] =	vst v0  }
0x24: {  	[tilespmem:$0x29E0] =	vst v0  }
0x25: {  	[tilespmem:$0x29F0] =	vst v0  }
0x26: {  	[tilespmem:$0x2A00] =	vst v0  }
0x27: {  	[tilespmem:$0x2A10] =	vst v0  }
0x28: {  	[tilespmem:$0x2A20] =	vst v0  }
0x29: {  	[tilespmem:$0x2A30] =	vst v0  }
0x2a: {  	[tilespmem:$0x2A40] =	vst v0  }
0x2b: {  	[tilespmem:$0x2A50] =	vst v0  }
0x2c: {  	[tilespmem:$0x2A60] =	vst v0  }
0x2d: {  	[tilespmem:$0x2A70] =	vst v0  }
0x2e: {  	[tilespmem:$0x2A80] =	vst v0  }
0x2f: {  	[tilespmem:$0x2A90] =	vst v0  }
0x30: {  	[tilespmem:$0x2AA0] =	vst v0  }
0x31: {  	[tilespmem:$0x2AB0] =	vst v0  }
0x32: {  	[tilespmem:$0x2AC0] =	vst v0  }
0x33: {  	[tilespmem:$0x2AD0] =	vst v0  }
0x34: {  	[tilespmem:$0x2AE0] =	vst v0  }
0x35: {  	[tilespmem:$0x2AF0] =	vst v0  }
0x36: {  	[spmem:s4] =	stream.linear.scatter [tilespmem:s8], [sflag:$0x1], $0x280, $0x38;
	[tilespmem:$0x2D80] =	vst v63  }
0x37: {  	_ =	swait.ge [sflag:s9], $0x280  }
0x38: {  	[sflag:s9] =	ssyncset.done $0x0  }
0x39: {  	[sflag:s9] =	ssyncadd.s32 $0xFFFFFD80  }
0x3a: {  	[tilespmem:$0x2800] =	vst v1  }
0x3b: {  	[tilespmem:$0x2810] =	vst v1  }
0x3c: {  	[tilespmem:$0x2820] =	vst v1  }
0x3d: {  	[tilespmem:$0x2830] =	vst v1  }
0x3e: {  	[tilespmem:$0x2840] =	vst v1  }
0x3f: {  	[tilespmem:$0x2850] =	vst v1  }
0x40: {  	[tilespmem:$0x2860] =	vst v1  }
0x41: {  	[tilespmem:$0x2870] =	vst v1  }
0x42: {  	[tilespmem:s3], [sflag:$0x1] =	stream.linear.gather [hbm4b:s5+s3], $0x2800, $0x38;
	[tilespmem:$0x2D80] =	vst v63  }
0x43: {  	_ =	swait.ge [sflag:s9], $0x2800  }
0x44: {  	[sflag:s9] =	ssyncset.done $0x0  }
0x45: {  	[sflag:s9] =	ssyncadd.s32 $0xFFFFD800  }
0x46: {  	s15 =	simm.s32 $0x0;
	[bflag:$0x0] =	sbarrier.arrive $0xFFFF  }
0x47: {  	[spmem:s2] =	stream.indirect.scatter.add.f32 [tilespmem:s11], [sflag:$0x1], $0x1, s15, s10, $0xb8;
	[tilespmem:$0x2D80] =	vst v63  }
0x48: {  	_ =	swait.ge [sflag:s9], $0x80  }
0x49: {  	s15 =	simm.s32 $0x200;
	[sflag:s9] =	ssyncset.done $0x0  }
.LBB2_2:
0x4a: {  	s16 =	sshra.s32 s15, $0x2;
	[sflag:s9] =	ssyncadd.s32 $0xFFFFFF80;
	p0 =	sne.s32 s15, $0x9E00  }
0x4b: {  	[spmem:s2] =	stream.indirect.scatter.add.f32 [tilespmem:s11], [sflag:$0x1], $0x1, s16, s10, $0xb8;
	[tilespmem:$0x2D80] =	vst v63  }
.Ltmp0:
0x4c: {  	_ = 	snop;
	(pc) =	sbr.rel @p0 .LBB2_2-.Ltmp0, $4  }
0x4d: {  	_ = 	snop  }
0x4e: {  	s15 =	sadd.s32 $0x200, s15  }
0x4f: {  	_ =	swait.ge [sflag:s9], $0x80  }
0x50: {  	[sflag:s9] =	ssyncset.done $0x0  }
0x51: {  	s14 =	sadd.s32 $0x1, s14  }
0x52: {  	[sflag:s9] =	ssyncadd.s32 $0xFFFFFF80;
	p0 =	sne.s32 s14, s7  }
.Ltmp1:
0x53: {  	[bflag:$0x0] =	sbarrier.arrive $0xFFFF;
	(pc) =	sbr.rel @p0 .LBB2_1-.Ltmp1, $4  }
0x54: {  	[hbm:s6], [sflag:s12] =	dma.local [spmem:s13], $0x50  }
0x55: {  	_ =	swait.ge [sflag:s9], $0x50  }
0x56: {  	[sflag:s9] =	ssyncset.done $0x0  }
0x57: {  	[sflag:s9] =	ssyncadd.s32 $0xFFFFFFB0  }
0x58: {  	_ =	sfence.sel $0x180000  }
0x59: {  	[bflag:$0x0] =	sbarrier.arrive $0xFFFF  }
0x5a: {  	p0 =	sne.s32 s0, $0x0;
	_ =	strace $0x90000047  }
0x5b: {  	s0 =	sadd.s32 @!p0 $0x100000, s1;
	[bflag:$0x2] =	sbarrier.arrive $0xFFFF  }
0x5c: {  	[sflag:s0] =	ssyncadd.tile.s32 @!p0 $0x1;
	_ =	shalt  }
.Lfunc_end2:
_tile_overlayer_lowered:
.L_overlay_start_2:
0x5d: {  	(tag) =	ssettag $0x2  }
0x5e: {  	s0 =	rddreg [dreg:$0x0];
	s2 =	stileid.u32  }
0x5f: {  	s1 =	rddreg [dreg:$0x1];
	p0 =	sne.s32 s2, $0x0  }
0x60: {  	s3 =	rddreg [dreg:$0x2];
	[bflag:$0x3] =	sbarrier.arrive $0xFFFF;
	s2 =	simm.s32 @!p0 $0x1C01  }
0x61: {  	[timem:s3], [sflag:s2] =	dma.local @!p0 [hbm:s0], s1  }
0x62: {  	s0 =	simm.s32 @!p0 $0x1  }
0x63: {  	_ =	swait.ge @!p0 [sflag:s0], s1  }
0x64: {  	s1 =	ssub.s32 @!p0 $0x0, s1;
	[sflag:s0] =	ssyncset.done @!p0 $0x0  }
0x65: {  	[sflag:s0] =	ssyncadd.s32 @!p0 s1  }
0x66: {  	[bflag:$0x3] =	sbarrier.arrive $0xFFFF  }
0x67: {  	_ =	shalt  }

</sc_bundles>
